<compile_context>
chip_gen: v7x
topology: tpu7x:2x2x1
jax: 0.10.2.dev20260603
libtpu: 0.0.44.dev20260713+nightly
codegen_flags: <defaults>
</compile_context>

<pallas_src>
import functools

import jax
import jax.numpy as jnp
from jax import lax
from jax.experimental import pallas as pl
from jax.experimental.pallas import tpu as pltpu
from jax.experimental.pallas import tpu_sc as plsc

B = 8
MAX_LEN = 64
SRC_LEN = 128
NT = 500
NTP = 512
VOCAB = 50000
TE = 300
HIDDEN = 768
HEADS = 8
DK = 96
CH = 2048
NCH = 25
SVW = SRC_LEN + NTP

_NC, _NS = 2, 16
_NW = _NC * _NS
_RPW = (B * NTP) // _NW

f32 = jnp.float32



def _sc_gather_body(hidx, ridx, tidx, ent, rel, out_h, out_r, out_t,
                    idx_v, rows_v, sem):
    wid = lax.axis_index("s") * _NC + lax.axis_index("c")
    base = wid * _RPW
    pltpu.sync_copy(hidx.at[pl.ds(base, _RPW)], idx_v)
    pltpu.async_copy(ent.at[idx_v], rows_v, sem).wait()
    pltpu.sync_copy(rows_v, out_h.at[pl.ds(base, _RPW)])
    pltpu.sync_copy(ridx.at[pl.ds(base, _RPW)], idx_v)
    pltpu.async_copy(rel.at[idx_v], rows_v, sem).wait()
    pltpu.sync_copy(rows_v, out_r.at[pl.ds(base, _RPW)])
    pltpu.sync_copy(tidx.at[pl.ds(base, _RPW)], idx_v)
    pltpu.async_copy(ent.at[idx_v], rows_v, sem).wait()
    pltpu.sync_copy(rows_v, out_t.at[pl.ds(base, _RPW)])


def _sc_gather(head_i, rel_i, tail_i, entity_emb, rel_emb):
    call = functools.partial(
        pl.kernel,
        mesh=plsc.VectorSubcoreMesh(core_axis_name="c", subcore_axis_name="s"),
        out_type=[jax.ShapeDtypeStruct((B * NTP, TE), f32)] * 3,
        scratch_types=[
            pltpu.VMEM((_RPW,), jnp.int32),
            pltpu.VMEM((_RPW, TE), f32),
            pltpu.SemaphoreType.DMA,
        ],
        compiler_params=pltpu.CompilerParams(use_tc_tiling_on_sc=False),
    )(_sc_gather_body)
    return call(head_i, rel_i, tail_i, entity_emb, rel_emb)



def _wg_body(w_ref, g_ref, o_ref):
    c = pl.program_id(0)
    col = c * CH + lax.broadcasted_iota(jnp.int32, (1, CH), 1)
    valid = col < VOCAB
    g = jnp.where(valid, g_ref[...], 0.0)
    w = jnp.where(valid, w_ref[...], 0.0)
    contrib = lax.dot_general(g, w, (((1,), (1,)), ((), ())),
                              preferred_element_type=f32)

    @pl.when(c == 0)
    def _():
        o_ref[...] = jnp.zeros_like(o_ref)

    o_ref[...] += contrib


def _wg_pass(W_out, Wg_row):
    return pl.pallas_call(
        _wg_body,
        grid=(NCH,),
        in_specs=[
            pl.BlockSpec((HIDDEN, CH), lambda c: (0, c)),
            pl.BlockSpec((1, CH), lambda c: (0, c)),
        ],
        out_specs=pl.BlockSpec((1, HIDDEN), lambda c: (0, 0)),
        out_shape=jax.ShapeDtypeStruct((1, HIDDEN), f32),
    )(W_out, Wg_row)



def _prepass_body(h_ref, r_ref, t_ref, lhs_ref, cross_ref,
                  wmh_ref, wmr_ref, wmt_ref, bm_ref, wlin_ref, wli_ref,
                  wq_ref, wk_ref, wv_ref, wo_ref,
                  wge_ref, wc_ref, bg_ref, bc_ref,
                  soh_ref, sval_ref):
    tm = (jnp.dot(h_ref[...], wmh_ref[...], preferred_element_type=f32)
          + jnp.dot(r_ref[...], wmr_ref[...], preferred_element_type=f32)
          + jnp.dot(t_ref[...], wmt_ref[...], preferred_element_type=f32)
          + bm_ref[...])
    trip = jnp.dot(tm, wlin_ref[...], preferred_element_type=f32)
    out_h = jnp.dot(lhs_ref[0], wli_ref[...], preferred_element_type=f32)

    key_pos = lax.broadcasted_iota(jnp.int32, (MAX_LEN, NTP), 1)
    key_bias = jnp.where(key_pos < NT, 0.0, -1e30)
    scale = 1.0 / (DK ** 0.5)

    attn_acc = jnp.zeros((MAX_LEN, NTP), f32)
    mid = jnp.zeros((MAX_LEN, HIDDEN), f32)
    for hd in range(HEADS):
        q = jnp.dot(out_h, wq_ref[hd], preferred_element_type=f32)
        k = jnp.dot(trip, wk_ref[hd], preferred_element_type=f32)
        v = jnp.dot(trip, wv_ref[hd], preferred_element_type=f32)
        s = lax.dot_general(q, k, (((1,), (1,)), ((), ())),
                            preferred_element_type=f32) * scale
        s = s + key_bias
        m = jnp.max(s, axis=1, keepdims=True)
        e = jnp.exp(s - m)
        p = e / jnp.sum(e, axis=1, keepdims=True)
        attn_acc += p
        ctx = jnp.dot(p, v, preferred_element_type=f32)
        mid += jnp.dot(ctx, wo_ref[hd], preferred_element_type=f32)

    attn_mean = attn_acc * (1.0 / HEADS)
    dlg = jnp.mean(cross_ref[0], axis=0)

    p_gen = jax.nn.sigmoid(
        jnp.sum(out_h * wge_ref[...], axis=1, keepdims=True) + bg_ref[0, 0])
    p_con = jax.nn.sigmoid(
        jnp.sum(mid * wc_ref[...], axis=1, keepdims=True) + bc_ref[0, 0])

    soh_ref[...] = (out_h * ((1.0 - p_con) * p_gen))[None]
    sd = dlg * ((1.0 - p_con) * (1.0 - p_gen))
    sa = attn_mean * p_con
    sval_ref[...] = jnp.concatenate([sd, sa], axis=1)[None]


def _prepass(hrows, rrows, trows, lhs, cross, Wmh, Wmr, Wmt, bm2, W_lin,
             W_li, Wq_r, Wk_r, Wv_r, Wo_r, wge_row, Wc_row, bg2, bc2):
    full = lambda shape: pl.BlockSpec(shape, lambda b: (0,) * len(shape))
    return pl.pallas_call(
        _prepass_body,
        grid=(B,),
        in_specs=[
            pl.BlockSpec((NTP, TE), lambda b: (b, 0)),
            pl.BlockSpec((NTP, TE), lambda b: (b, 0)),
            pl.BlockSpec((NTP, TE), lambda b: (b, 0)),
            pl.BlockSpec((1, MAX_LEN, 2 * HIDDEN), lambda b: (b, 0, 0)),
            pl.BlockSpec((1, 12, MAX_LEN, SRC_LEN), lambda b: (b, 0, 0, 0)),
            full((TE, 3 * TE)),
            full((TE, 3 * TE)),
            full((TE, 3 * TE)),
            full((1, 3 * TE)),
            full((3 * TE, HIDDEN)),
            full((2 * HIDDEN, HIDDEN)),
            full((HEADS, HIDDEN, DK)),
            full((HEADS, HIDDEN, DK)),
            full((HEADS, HIDDEN, DK)),
            full((HEADS, DK, HIDDEN)),
            full((1, HIDDEN)),
            full((1, HIDDEN)),
            full((1, 1)),
            full((1, 1)),
        ],
        out_specs=[
            pl.BlockSpec((1, MAX_LEN, HIDDEN), lambda b: (b, 0, 0)),
            pl.BlockSpec((1, MAX_LEN, SVW), lambda b: (b, 0, 0)),
        ],
        out_shape=[
            jax.ShapeDtypeStruct((B, MAX_LEN, HIDDEN), f32),
            jax.ShapeDtypeStruct((B, MAX_LEN, SVW), f32),
        ],
    )(hrows, rrows, trows, lhs, cross, Wmh, Wmr, Wmt, bm2, W_lin, W_li,
      Wq_r, Wk_r, Wv_r, Wo_r, wge_row, Wc_row, bg2, bc2)



def _vocab_body(soh_ref, sval_ref, idx_ref, w_ref, o_ref):
    c = pl.program_id(0)
    gen = jnp.dot(soh_ref[...], w_ref[...], preferred_element_type=f32)
    gen3 = gen.reshape(B, MAX_LEN, CH)
    col = c * CH + lax.broadcasted_iota(jnp.int32, (SVW, CH), 1)
    for b in range(B):
        oh = (idx_ref[b] == col).astype(f32)
        cp = jnp.dot(sval_ref[b], oh, preferred_element_type=f32)
        o_ref[b] = gen3[b] + cp


def _vocab_pass(soh2, svals, comb3, W_out):
    return pl.pallas_call(
        _vocab_body,
        grid=(NCH,),
        in_specs=[
            pl.BlockSpec((B * MAX_LEN, HIDDEN), lambda c: (0, 0)),
            pl.BlockSpec((B, MAX_LEN, SVW), lambda c: (0, 0, 0)),
            pl.BlockSpec((B, SVW, 1), lambda c: (0, 0, 0)),
            pl.BlockSpec((HIDDEN, CH), lambda c: (0, c)),
        ],
        out_specs=pl.BlockSpec((B, MAX_LEN, CH), lambda c: (0, 0, c)),
        out_shape=jax.ShapeDtypeStruct((B, MAX_LEN, VOCAB), f32),
    )(soh2, svals, comb3, W_out)



def kernel(input_ids, kg_enc_input, cross_attn, last_hidden_state,
           entity_emb, rel_emb, W_mlp, b_mlp, W_lin, W_li, Wq, Wk, Wv, Wo,
           W_out, Wg, bg, Wc, bc):
    kg = kg_enc_input.reshape(B, NT, 3)
    pad0 = jnp.zeros((B, NTP - NT), jnp.int32)
    head_i = jnp.concatenate([kg[:, :, 0], pad0], axis=1).reshape(B * NTP)
    rel_i = jnp.concatenate([kg[:, :, 1], pad0], axis=1).reshape(B * NTP)
    tail_i = jnp.concatenate([kg[:, :, 2], pad0], axis=1).reshape(B * NTP)

    hrows, rrows, trows = _sc_gather(head_i, rel_i, tail_i,
                                     entity_emb, rel_emb)

    wge_row = _wg_pass(W_out, Wg.reshape(1, VOCAB))

    Wmh, Wmr, Wmt = W_mlp[:TE], W_mlp[TE:2 * TE], W_mlp[2 * TE:]
    Wq_r = Wq.reshape(HIDDEN, HEADS, DK).transpose(1, 0, 2)
    Wk_r = Wk.reshape(HIDDEN, HEADS, DK).transpose(1, 0, 2)
    Wv_r = Wv.reshape(HIDDEN, HEADS, DK).transpose(1, 0, 2)
    Wo_r = Wo.reshape(HEADS, DK, HIDDEN)

    soh, svals = _prepass(
        hrows, rrows, trows, last_hidden_state, cross_attn,
        Wmh, Wmr, Wmt, b_mlp.reshape(1, 3 * TE), W_lin, W_li,
        Wq_r, Wk_r, Wv_r, Wo_r, wge_row, Wc.reshape(1, HIDDEN),
        bg.reshape(1, 1), bc.reshape(1, 1))

    padm1 = jnp.full((B, NTP - NT), -1, jnp.int32)
    tail_pad = jnp.concatenate([kg[:, :, 2], padm1], axis=1)
    comb3 = jnp.concatenate([input_ids, tail_pad], axis=1)[..., None]

    return _vocab_pass(soh.reshape(B * MAX_LEN, HIDDEN), svals, comb3, W_out)

# --- scband reference (transcript-rebuilt; emitter-appended) ---
"""Pipeline reference for scband-pointer-10230612099238 (READ-ONLY COPY).

The authoritative reference and input builder live on the scoring server;
editing this copy changes nothing except your own understanding.
"""

import jax, jax.numpy as jnp
import numpy as np

B, MAX_LEN, SRC_LEN = 8, 64, 128
N1, N2 = 50, 10
NT = N1 * N2
VOCAB, REL_VOCAB = 50000, 1000
T_EMBED, HIDDEN, HEADS = 300, 768, 8
DK = HIDDEN // HEADS


def setup_inputs(seed: int = 0):
    key = jax.random.key(seed)
    ks = [jax.random.fold_in(key, i) for i in range(32)]
    inp = {}
    inp['input_ids'] = jax.random.randint(ks[0], (B, SRC_LEN), 0, VOCAB, dtype=jnp.int32)
    inp['kg_enc_input'] = jax.random.randint(ks[1], (B, N1, N2, 3), 0, REL_VOCAB, dtype=jnp.int32)
    inp['cross_attn'] = jax.random.uniform(ks[2], (B, 12, MAX_LEN, SRC_LEN), dtype=jnp.float32)
    inp['last_hidden_state'] = jax.random.normal(ks[3], (B, MAX_LEN, 2 * HIDDEN), dtype=jnp.float32)
    inp['entity_emb'] = jax.random.normal(ks[4], (VOCAB, T_EMBED), dtype=jnp.float32) * 0.02
    inp['rel_emb'] = jax.random.normal(ks[5], (REL_VOCAB, T_EMBED), dtype=jnp.float32) * 0.02
    inp['W_mlp'] = jax.random.normal(ks[6], (3 * T_EMBED, 3 * T_EMBED), dtype=jnp.float32) * 0.02
    inp['b_mlp'] = jnp.zeros((3 * T_EMBED,), jnp.float32)
    inp['W_lin'] = jax.random.normal(ks[7], (3 * T_EMBED, HIDDEN), dtype=jnp.float32) * 0.02
    inp['W_li'] = jax.random.normal(ks[8], (2 * HIDDEN, HIDDEN), dtype=jnp.float32) * 0.02
    inp['Wq'] = jax.random.normal(ks[9], (HIDDEN, HIDDEN), dtype=jnp.float32) * 0.02
    inp['Wk'] = jax.random.normal(ks[10], (HIDDEN, HIDDEN), dtype=jnp.float32) * 0.02
    inp['Wv'] = jax.random.normal(ks[11], (HIDDEN, HIDDEN), dtype=jnp.float32) * 0.02
    inp['Wo'] = jax.random.normal(ks[12], (HIDDEN, HIDDEN), dtype=jnp.float32) * 0.02
    inp['W_out'] = jax.random.normal(ks[13], (HIDDEN, VOCAB), dtype=jnp.float32) * 0.02
    inp['Wg'] = jax.random.normal(ks[14], (VOCAB, 1), dtype=jnp.float32) * 0.02
    inp['bg'] = jnp.zeros((1,), jnp.float32)
    inp['Wc'] = jax.random.normal(ks[15], (HIDDEN, 1), dtype=jnp.float32) * 0.02
    inp['bc'] = jnp.zeros((1,), jnp.float32)
    return inp


def _forward(input_ids, kg_enc_input, cross_attn, last_hidden_state, entity_emb, rel_emb, W_mlp, b_mlp, W_lin, W_li, Wq, Wk, Wv, Wo, W_out, Wg, bg, Wc, bc):
    head = kg_enc_input[..., 0]
    rel = kg_enc_input[..., 1]
    tail = kg_enc_input[..., 2]
    head_emb = jnp.take(entity_emb, head, axis=0)
    rel_emb_v = jnp.take(rel_emb, rel, axis=0)
    tail_emb = jnp.take(entity_emb, tail, axis=0)
    triple = jnp.concatenate([head_emb, rel_emb_v, tail_emb], axis=3)
    triple = triple @ W_mlp + b_mlp
    triple = triple.reshape(B, NT, 3 * T_EMBED) @ W_lin
    dlg_attn = jnp.mean(cross_attn, axis=1)
    out_h = last_hidden_state @ W_li
    q = (out_h @ Wq).reshape(B, MAX_LEN, HEADS, DK).transpose(0, 2, 1, 3)
    k = (triple @ Wk).reshape(B, NT, HEADS, DK).transpose(0, 2, 1, 3)
    v = (triple @ Wv).reshape(B, NT, HEADS, DK).transpose(0, 2, 1, 3)
    scores = (q @ k.transpose(0, 1, 3, 2)) / jnp.sqrt(jnp.float32(DK))
    p = jax.nn.softmax(scores, axis=-1)
    ctx = (p @ v).transpose(0, 2, 1, 3).reshape(B, MAX_LEN, HIDDEN)
    mid = ctx @ Wo
    attn = jnp.mean(p, axis=1)
    logits = out_h @ W_out
    b_idx = jnp.arange(B)[:, None, None]
    m_idx = jnp.arange(MAX_LEN)[None, :, None]
    copy_index = jnp.broadcast_to(input_ids[:, None, :], (B, MAX_LEN, SRC_LEN))
    copy_logits = jnp.zeros((B, MAX_LEN, VOCAB), jnp.float32).at[b_idx, m_idx, copy_index].add(dlg_attn)
    p_gen = jax.nn.sigmoid(logits @ Wg + bg)
    tail_flat = tail.reshape(B, NT)
    kbt_index = jnp.broadcast_to(tail_flat[:, None, :], (B, MAX_LEN, NT))
    kbt_logits = jnp.zeros((B, MAX_LEN, VOCAB), jnp.float32).at[b_idx, m_idx, kbt_index].add(attn)
    p_con = jax.nn.sigmoid(mid @ Wc + bc)
    con_logits = p_gen * logits + (1.0 - p_gen) * copy_logits
    kb_logits = p_con * kbt_logits + (1.0 - p_con) * con_logits
    return kb_logits


def reference(input_ids, kg_enc_input, cross_attn, last_hidden_state, entity_emb, rel_emb, W_mlp, b_mlp, W_lin, W_li, Wq, Wk, Wv, Wo, W_out, Wg, bg, Wc, bc):
    return _forward(input_ids, kg_enc_input, cross_attn, last_hidden_state, entity_emb, rel_emb, W_mlp, b_mlp, W_lin, W_li, Wq, Wk, Wv, Wo, W_out, Wg, bg, Wc, bc)

if __name__ == "__main__":
    import jax
    _d = setup_inputs()
    print(jax.jit(kernel)(*tuple(_d.values())))

</pallas_src>

<mosaic_0001>
#map = affine_map<(d0, d1) -> (0)>
#map1 = affine_map<(d0, d1) -> (0, 0)>
module attributes {stable_mosaic.version = 14 : i64} {
  func.func @_sc_gather_body(%arg0: i32, %arg1: i32, %arg2: memref<4096xi32, #tpu.memory_space<hbm>>, %arg3: memref<4096xi32, #tpu.memory_space<hbm>>, %arg4: memref<4096xi32, #tpu.memory_space<hbm>>, %arg5: memref<50000x300xf32, #tpu.memory_space<hbm>>, %arg6: memref<1000x300xf32, #tpu.memory_space<hbm>>, %arg7: memref<4096x300xf32, #tpu.memory_space<hbm>>, %arg8: memref<4096x300xf32, #tpu.memory_space<hbm>>, %arg9: memref<4096x300xf32, #tpu.memory_space<hbm>>, %arg10: memref<128xi32, #tpu.memory_space<vmem>>, %arg11: memref<128x300xf32, #tpu.memory_space<vmem>>, %arg12: memref<!tpu.dma_semaphore, #tpu.memory_space<semaphore_mem>>) attributes {dimension_semantics = [#tpu.dimension_semantics<core_parallel>, #tpu.dimension_semantics<subcore_parallel>], iteration_bounds = array<i64: 2, 16>, scalar_prefetch = 0 : i64, scratch_operands = 3 : i64, tpu.core_type = #tpu.core_type<sc_vector_subcore>, window_params = [{transform_indices = #map}, {transform_indices = #map}, {transform_indices = #map}, {transform_indices = #map1}, {transform_indices = #map1}, {transform_indices = #map1}, {transform_indices = #map1}, {transform_indices = #map1}]} {
    %mul3A = arith.constant 2 : i32
    %mul3A_0 = arith.muli %arg1, %mul3A : i32
    %add3A = arith.addi %mul3A_0, %arg0 : i32
    %mul3A_1 = arith.constant 128 : i32
    %mul3A_2 = arith.muli %add3A, %mul3A_1 : i32
    "tpu.region"() ({
      %run_scoped3A = tpu.sem_alloc : memref<!tpu.dma_semaphore, #tpu.memory_space<semaphore_mem>>
      %dma_start3A_19 = tpu.memref_slice %arg2[%mul3A_2] : memref<4096xi32, #tpu.memory_space<hbm>> -> memref<128xi32, #tpu.memory_space<hbm>>
      %dma_start3A_20 = tpu.memref_slice %arg2[%mul3A_2] : memref<4096xi32, #tpu.memory_space<hbm>> -> memref<128xi32, #tpu.memory_space<hbm>>
      tpu.enqueue_dma source(%dma_start3A_20 : memref<128xi32, #tpu.memory_space<hbm>>) target(%arg10 : memref<128xi32, #tpu.memory_space<vmem>>) target_semaphore(%run_scoped3A : memref<!tpu.dma_semaphore, #tpu.memory_space<semaphore_mem>>)
      %dma_wait3A_21 = tpu.memref_slice %arg2[%mul3A_2] : memref<4096xi32, #tpu.memory_space<hbm>> -> memref<128xi32, #tpu.memory_space<hbm>>
      %dma_wait3A_22 = tpu.memref_slice %arg2[%mul3A_2] : memref<4096xi32, #tpu.memory_space<hbm>> -> memref<128xi32, #tpu.memory_space<hbm>>
      tpu.wait_dma2 semaphore(%run_scoped3A : memref<!tpu.dma_semaphore, #tpu.memory_space<semaphore_mem>>) src(%dma_wait3A_22 : memref<128xi32, #tpu.memory_space<hbm>>) dst(%arg10 : memref<128xi32, #tpu.memory_space<vmem>>)
      tpu.yield
    }) : () -> ()
    %dma_start3A = arith.constant 0 : i32
    %dma_start3A_3 = arith.constant 0 : i32
    %dma_start3A_4 = tpu.memref_slice %arg5[%dma_start3A, %dma_start3A_3] : memref<50000x300xf32, #tpu.memory_space<hbm>> -> memref<50000x300xf32, #tpu.memory_space<hbm>>
    tpu.enqueue_indirect_dma source(%dma_start3A_4 : memref<50000x300xf32, #tpu.memory_space<hbm>>) target(%arg11 : memref<128x300xf32, #tpu.memory_space<vmem>>) offsets(%arg10 : memref<128xi32, #tpu.memory_space<vmem>>) semaphore(%arg12 : memref<!tpu.dma_semaphore, #tpu.memory_space<semaphore_mem>>)
    %dma_wait3A = arith.constant 0 : i32
    %dma_wait3A_5 = arith.constant 0 : i32
    %dma_wait3A_6 = tpu.memref_slice %arg5[%dma_wait3A, %dma_wait3A_5] : memref<50000x300xf32, #tpu.memory_space<hbm>> -> memref<50000x300xf32, #tpu.memory_space<hbm>>
    tpu.wait_indirect_dma semaphore(%arg12 : memref<!tpu.dma_semaphore, #tpu.memory_space<semaphore_mem>>) src(%dma_wait3A_6 : memref<50000x300xf32, #tpu.memory_space<hbm>>) dst(%arg11 : memref<128x300xf32, #tpu.memory_space<vmem>>)
    "tpu.region"() ({
      %run_scoped3A = tpu.sem_alloc : memref<!tpu.dma_semaphore, #tpu.memory_space<semaphore_mem>>
      %dma_start3A_19 = arith.constant 0 : i32
      %dma_start3A_20 = tpu.memref_slice %arg7[%mul3A_2, %dma_start3A_19] : memref<4096x300xf32, #tpu.memory_space<hbm>> -> memref<128x300xf32, #tpu.memory_space<hbm>>
      %dma_start3A_21 = arith.constant 0 : i32
      %dma_start3A_22 = tpu.memref_slice %arg7[%mul3A_2, %dma_start3A_21] : memref<4096x300xf32, #tpu.memory_space<hbm>> -> memref<128x300xf32, #tpu.memory_space<hbm>>
      tpu.enqueue_dma source(%arg11 : memref<128x300xf32, #tpu.memory_space<vmem>>) target(%dma_start3A_22 : memref<128x300xf32, #tpu.memory_space<hbm>>) target_semaphore(%run_scoped3A : memref<!tpu.dma_semaphore, #tpu.memory_space<semaphore_mem>>)
      %dma_wait3A_23 = arith.constant 0 : i32
      %dma_wait3A_24 = tpu.memref_slice %arg7[%mul3A_2, %dma_wait3A_23] : memref<4096x300xf32, #tpu.memory_space<hbm>> -> memref<128x300xf32, #tpu.memory_space<hbm>>
      %dma_wait3A_25 = arith.constant 0 : i32
      %dma_wait3A_26 = tpu.memref_slice %arg7[%mul3A_2, %dma_wait3A_25] : memref<4096x300xf32, #tpu.memory_space<hbm>> -> memref<128x300xf32, #tpu.memory_space<hbm>>
      tpu.wait_dma2 semaphore(%run_scoped3A : memref<!tpu.dma_semaphore, #tpu.memory_space<semaphore_mem>>) src(%arg11 : memref<128x300xf32, #tpu.memory_space<vmem>>) dst(%dma_wait3A_26 : memref<128x300xf32, #tpu.memory_space<hbm>>)
      tpu.yield
    }) : () -> ()
    "tpu.region"() ({
      %run_scoped3A = tpu.sem_alloc : memref<!tpu.dma_semaphore, #tpu.memory_space<semaphore_mem>>
      %dma_start3A_19 = tpu.memref_slice %arg3[%mul3A_2] : memref<4096xi32, #tpu.memory_space<hbm>> -> memref<128xi32, #tpu.memory_space<hbm>>
      %dma_start3A_20 = tpu.memref_slice %arg3[%mul3A_2] : memref<4096xi32, #tpu.memory_space<hbm>> -> memref<128xi32, #tpu.memory_space<hbm>>
      tpu.enqueue_dma source(%dma_start3A_20 : memref<128xi32, #tpu.memory_space<hbm>>) target(%arg10 : memref<128xi32, #tpu.memory_space<vmem>>) target_semaphore(%run_scoped3A : memref<!tpu.dma_semaphore, #tpu.memory_space<semaphore_mem>>)
      %dma_wait3A_21 = tpu.memref_slice %arg3[%mul3A_2] : memref<4096xi32, #tpu.memory_space<hbm>> -> memref<128xi32, #tpu.memory_space<hbm>>
      %dma_wait3A_22 = tpu.memref_slice %arg3[%mul3A_2] : memref<4096xi32, #tpu.memory_space<hbm>> -> memref<128xi32, #tpu.memory_space<hbm>>
      tpu.wait_dma2 semaphore(%run_scoped3A : memref<!tpu.dma_semaphore, #tpu.memory_space<semaphore_mem>>) src(%dma_wait3A_22 : memref<128xi32, #tpu.memory_space<hbm>>) dst(%arg10 : memref<128xi32, #tpu.memory_space<vmem>>)
      tpu.yield
    }) : () -> ()
    %dma_start3A_7 = arith.constant 0 : i32
    %dma_start3A_8 = arith.constant 0 : i32
    %dma_start3A_9 = tpu.memref_slice %arg6[%dma_start3A_7, %dma_start3A_8] : memref<1000x300xf32, #tpu.memory_space<hbm>> -> memref<1000x300xf32, #tpu.memory_space<hbm>>
    tpu.enqueue_indirect_dma source(%dma_start3A_9 : memref<1000x300xf32, #tpu.memory_space<hbm>>) target(%arg11 : memref<128x300xf32, #tpu.memory_space<vmem>>) offsets(%arg10 : memref<128xi32, #tpu.memory_space<vmem>>) semaphore(%arg12 : memref<!tpu.dma_semaphore, #tpu.memory_space<semaphore_mem>>)
    %dma_wait3A_10 = arith.constant 0 : i32
    %dma_wait3A_11 = arith.constant 0 : i32
    %dma_wait3A_12 = tpu.memref_slice %arg6[%dma_wait3A_10, %dma_wait3A_11] : memref<1000x300xf32, #tpu.memory_space<hbm>> -> memref<1000x300xf32, #tpu.memory_space<hbm>>
    tpu.wait_indirect_dma semaphore(%arg12 : memref<!tpu.dma_semaphore, #tpu.memory_space<semaphore_mem>>) src(%dma_wait3A_12 : memref<1000x300xf32, #tpu.memory_space<hbm>>) dst(%arg11 : memref<128x300xf32, #tpu.memory_space<vmem>>)
    "tpu.region"() ({
      %run_scoped3A = tpu.sem_alloc : memref<!tpu.dma_semaphore, #tpu.memory_space<semaphore_mem>>
      %dma_start3A_19 = arith.constant 0 : i32
      %dma_start3A_20 = tpu.memref_slice %arg8[%mul3A_2, %dma_start3A_19] : memref<4096x300xf32, #tpu.memory_space<hbm>> -> memref<128x300xf32, #tpu.memory_space<hbm>>
      %dma_start3A_21 = arith.constant 0 : i32
      %dma_start3A_22 = tpu.memref_slice %arg8[%mul3A_2, %dma_start3A_21] : memref<4096x300xf32, #tpu.memory_space<hbm>> -> memref<128x300xf32, #tpu.memory_space<hbm>>
      tpu.enqueue_dma source(%arg11 : memref<128x300xf32, #tpu.memory_space<vmem>>) target(%dma_start3A_22 : memref<128x300xf32, #tpu.memory_space<hbm>>) target_semaphore(%run_scoped3A : memref<!tpu.dma_semaphore, #tpu.memory_space<semaphore_mem>>)
      %dma_wait3A_23 = arith.constant 0 : i32
      %dma_wait3A_24 = tpu.memref_slice %arg8[%mul3A_2, %dma_wait3A_23] : memref<4096x300xf32, #tpu.memory_space<hbm>> -> memref<128x300xf32, #tpu.memory_space<hbm>>
      %dma_wait3A_25 = arith.constant 0 : i32
      %dma_wait3A_26 = tpu.memref_slice %arg8[%mul3A_2, %dma_wait3A_25] : memref<4096x300xf32, #tpu.memory_space<hbm>> -> memref<128x300xf32, #tpu.memory_space<hbm>>
      tpu.wait_dma2 semaphore(%run_scoped3A : memref<!tpu.dma_semaphore, #tpu.memory_space<semaphore_mem>>) src(%arg11 : memref<128x300xf32, #tpu.memory_space<vmem>>) dst(%dma_wait3A_26 : memref<128x300xf32, #tpu.memory_space<hbm>>)
      tpu.yield
    }) : () -> ()
    "tpu.region"() ({
      %run_scoped3A = tpu.sem_alloc : memref<!tpu.dma_semaphore, #tpu.memory_space<semaphore_mem>>
      %dma_start3A_19 = tpu.memref_slice %arg4[%mul3A_2] : memref<4096xi32, #tpu.memory_space<hbm>> -> memref<128xi32, #tpu.memory_space<hbm>>
      %dma_start3A_20 = tpu.memref_slice %arg4[%mul3A_2] : memref<4096xi32, #tpu.memory_space<hbm>> -> memref<128xi32, #tpu.memory_space<hbm>>
      tpu.enqueue_dma source(%dma_start3A_20 : memref<128xi32, #tpu.memory_space<hbm>>) target(%arg10 : memref<128xi32, #tpu.memory_space<vmem>>) target_semaphore(%run_scoped3A : memref<!tpu.dma_semaphore, #tpu.memory_space<semaphore_mem>>)
      %dma_wait3A_21 = tpu.memref_slice %arg4[%mul3A_2] : memref<4096xi32, #tpu.memory_space<hbm>> -> memref<128xi32, #tpu.memory_space<hbm>>
      %dma_wait3A_22 = tpu.memref_slice %arg4[%mul3A_2] : memref<4096xi32, #tpu.memory_space<hbm>> -> memref<128xi32, #tpu.memory_space<hbm>>
      tpu.wait_dma2 semaphore(%run_scoped3A : memref<!tpu.dma_semaphore, #tpu.memory_space<semaphore_mem>>) src(%dma_wait3A_22 : memref<128xi32, #tpu.memory_space<hbm>>) dst(%arg10 : memref<128xi32, #tpu.memory_space<vmem>>)
      tpu.yield
    }) : () -> ()
    %dma_start3A_13 = arith.constant 0 : i32
    %dma_start3A_14 = arith.constant 0 : i32
    %dma_start3A_15 = tpu.memref_slice %arg5[%dma_start3A_13, %dma_start3A_14] : memref<50000x300xf32, #tpu.memory_space<hbm>> -> memref<50000x300xf32, #tpu.memory_space<hbm>>
    tpu.enqueue_indirect_dma source(%dma_start3A_15 : memref<50000x300xf32, #tpu.memory_space<hbm>>) target(%arg11 : memref<128x300xf32, #tpu.memory_space<vmem>>) offsets(%arg10 : memref<128xi32, #tpu.memory_space<vmem>>) semaphore(%arg12 : memref<!tpu.dma_semaphore, #tpu.memory_space<semaphore_mem>>)
    %dma_wait3A_16 = arith.constant 0 : i32
    %dma_wait3A_17 = arith.constant 0 : i32
    %dma_wait3A_18 = tpu.memref_slice %arg5[%dma_wait3A_16, %dma_wait3A_17] : memref<50000x300xf32, #tpu.memory_space<hbm>> -> memref<50000x300xf32, #tpu.memory_space<hbm>>
    tpu.wait_indirect_dma semaphore(%arg12 : memref<!tpu.dma_semaphore, #tpu.memory_space<semaphore_mem>>) src(%dma_wait3A_18 : memref<50000x300xf32, #tpu.memory_space<hbm>>) dst(%arg11 : memref<128x300xf32, #tpu.memory_space<vmem>>)
    "tpu.region"() ({
      %run_scoped3A = tpu.sem_alloc : memref<!tpu.dma_semaphore, #tpu.memory_space<semaphore_mem>>
      %dma_start3A_19 = arith.constant 0 : i32
      %dma_start3A_20 = tpu.memref_slice %arg9[%mul3A_2, %dma_start3A_19] : memref<4096x300xf32, #tpu.memory_space<hbm>> -> memref<128x300xf32, #tpu.memory_space<hbm>>
      %dma_start3A_21 = arith.constant 0 : i32
      %dma_start3A_22 = tpu.memref_slice %arg9[%mul3A_2, %dma_start3A_21] : memref<4096x300xf32, #tpu.memory_space<hbm>> -> memref<128x300xf32, #tpu.memory_space<hbm>>
      tpu.enqueue_dma source(%arg11 : memref<128x300xf32, #tpu.memory_space<vmem>>) target(%dma_start3A_22 : memref<128x300xf32, #tpu.memory_space<hbm>>) target_semaphore(%run_scoped3A : memref<!tpu.dma_semaphore, #tpu.memory_space<semaphore_mem>>)
      %dma_wait3A_23 = arith.constant 0 : i32
      %dma_wait3A_24 = tpu.memref_slice %arg9[%mul3A_2, %dma_wait3A_23] : memref<4096x300xf32, #tpu.memory_space<hbm>> -> memref<128x300xf32, #tpu.memory_space<hbm>>
      %dma_wait3A_25 = arith.constant 0 : i32
      %dma_wait3A_26 = tpu.memref_slice %arg9[%mul3A_2, %dma_wait3A_25] : memref<4096x300xf32, #tpu.memory_space<hbm>> -> memref<128x300xf32, #tpu.memory_space<hbm>>
      tpu.wait_dma2 semaphore(%run_scoped3A : memref<!tpu.dma_semaphore, #tpu.memory_space<semaphore_mem>>) src(%arg11 : memref<128x300xf32, #tpu.memory_space<vmem>>) dst(%dma_wait3A_26 : memref<128x300xf32, #tpu.memory_space<hbm>>)
      tpu.yield
    }) : () -> ()
    return
  }
}

module attributes {stable_mosaic.version = 14 : i64} {
  func.func @_wg_body(%arg0: i32, %arg1: memref<768x2048xf32, #tpu.memory_space<vmem>>, %arg2: memref<1x2048xf32, #tpu.memory_space<vmem>>, %arg3: memref<1x768xf32, #tpu.memory_space<vmem>>) attributes {dimension_semantics = [#tpu.dimension_semantics<arbitrary>], iteration_bounds = array<i64: 25>, scalar_prefetch = 0 : i64, scratch_operands = 0 : i64, tpu.core_type = #tpu.core_type<tc>, window_params = [{transform_indices = @transform_0, window_bounds = array<i64: 768, 2048>}, {transform_indices = @transform_1, window_bounds = array<i64: 1, 2048>}, {pipeline_mode = #tpu.pipeline_mode<synchronous>, transform_indices = @transform_2, window_bounds = array<i64: 1, 768>}]} {
    %mul3A = arith.constant 2048 : i32
    %mul3A_0 = arith.muli %arg0, %mul3A : i32
    %iota3A = tpu.iota {dimensions = array<i32: 1>} : vector<1x2048xi32>
    %add3A = vector.broadcast %mul3A_0 : i32 to vector<1x2048xi32>
    %add3A_1 = arith.addi %add3A, %iota3A : vector<1x2048xi32>
    %lt3A = arith.constant 50000 : i32
    %lt3A_2 = vector.broadcast %lt3A : i32 to vector<1x2048xi32>
    %lt3A_3 = arith.cmpi slt, %add3A_1, %lt3A_2 : vector<1x2048xi32>
    %get3A = arith.constant 0 : index
    %get3A_4 = arith.constant 0 : index
    %get3A_5 = vector.load %arg2[%get3A, %get3A_4] : memref<1x2048xf32, #tpu.memory_space<vmem>>, vector<1x2048xf32>
    %jit3A = arith.constant 0.000000e+00 : f32
    %broadcast_in_dim3A = vector.broadcast %jit3A : f32 to vector<1x2048xf32>
    %select_n3A = arith.select %lt3A_3, %get3A_5, %broadcast_in_dim3A : vector<1x2048xi1>, vector<1x2048xf32>
    %get3A_6 = arith.constant 0 : index
    %get3A_7 = arith.constant 0 : index
    %get3A_8 = vector.load %arg1[%get3A_6, %get3A_7] : memref<768x2048xf32, #tpu.memory_space<vmem>>, vector<768x2048xf32>
    %jit3A_9 = arith.constant 0.000000e+00 : f32
    %broadcast_in_dim3A_10 = vector.shape_cast %lt3A_3 : vector<1x2048xi1> to vector<1x2048xi1>
    %broadcast_in_dim3A_11 = vector.broadcast %broadcast_in_dim3A_10 : vector<1x2048xi1> to vector<768x2048xi1>
    %broadcast_in_dim3A_12 = vector.broadcast %jit3A_9 : f32 to vector<768x2048xf32>
    %select_n3A_13 = arith.select %broadcast_in_dim3A_11, %get3A_8, %broadcast_in_dim3A_12 : vector<768x2048xi1>, vector<768x2048xf32>
    %dot_general3A = arith.constant dense<0.000000e+00> : vector<1x768xf32>
    %dot_general3A_14 = tpu.matmul %select_n3A, %select_n3A_13, %dot_general3A {dimension_numbers = #tpu.dot_dimension_numbers<[1], [1], [0], [0], [0, 0, 1, 0], [], []>, transpose_lhs_hint = false} : vector<1x2048xf32>, vector<768x2048xf32>, vector<1x768xf32> -> vector<1x768xf32>
    %eq3A = arith.constant 0 : i32
    %eq3A_15 = arith.cmpi eq, %arg0, %eq3A : i32
    %convert_element_type3A = arith.extui %eq3A_15 : i1 to i32
    %cond3A = arith.constant 0 : i32
    %cond3A_16 = arith.cmpi ne, %convert_element_type3A, %cond3A : i32
    scf.if %cond3A_16 {
      %broadcast_in_dim3A_23 = arith.constant 0.000000e+00 : f32
      %broadcast_in_dim3A_24 = vector.broadcast %broadcast_in_dim3A_23 : f32 to vector<1x768xf32>
      %swap3A_25 = arith.constant 0 : index
      %swap3A_26 = arith.constant 0 : index
      %swap3A_27 = vector.load %arg3[%swap3A_25, %swap3A_26] : memref<1x768xf32, #tpu.memory_space<vmem>>, vector<1x768xf32>
      tpu.vector_store %arg3[%swap3A_25, %swap3A_26], %broadcast_in_dim3A_24 {strides = array<i32>} : memref<1x768xf32, #tpu.memory_space<vmem>>, vector<1x768xf32>,
    } else {
    }
    %get3A_17 = arith.constant 0 : index
    %get3A_18 = arith.constant 0 : index
    %get3A_19 = vector.load %arg3[%get3A_17, %get3A_18] : memref<1x768xf32, #tpu.memory_space<vmem>>, vector<1x768xf32>
    %add3A_20 = arith.addf %get3A_19, %dot_general3A_14 : vector<1x768xf32>
    %swap3A = arith.constant 0 : index
    %swap3A_21 = arith.constant 0 : index
    %swap3A_22 = vector.load %arg3[%swap3A, %swap3A_21] : memref<1x768xf32, #tpu.memory_space<vmem>>, vector<1x768xf32>
    tpu.vector_store %arg3[%swap3A, %swap3A_21], %add3A_20 {strides = array<i32>} : memref<1x768xf32, #tpu.memory_space<vmem>>, vector<1x768xf32>,
    return
  }
  func.func @transform_0(%arg0: i32) -> (i32, i32) {
    %c0_i32 = arith.constant 0 : i32
    %c0_i32_0 = arith.constant 0 : i32
    return %c0_i32, %arg0 : i32, i32
  }
  func.func @transform_1(%arg0: i32) -> (i32, i32) {
    %c0_i32 = arith.constant 0 : i32
    %c0_i32_0 = arith.constant 0 : i32
    return %c0_i32, %arg0 : i32, i32
  }
  func.func @transform_2(%arg0: i32) -> (i32, i32) {
    %c0_i32 = arith.constant 0 : i32
    %c0_i32_0 = arith.constant 0 : i32
    %c0_i32_1 = arith.constant 0 : i32
    return %c0_i32, %c0_i32_0 : i32, i32
  }
}

module attributes {stable_mosaic.version = 14 : i64} {
  func.func @_prepass_body(%arg0: i32, %arg1: memref<512x300xf32, #tpu.memory_space<vmem>>, %arg2: memref<512x300xf32, #tpu.memory_space<vmem>>, %arg3: memref<512x300xf32, #tpu.memory_space<vmem>>, %arg4: memref<1x64x1536xf32, #tpu.memory_space<vmem>>, %arg5: memref<1x12x64x128xf32, #tpu.memory_space<vmem>>, %arg6: memref<300x900xf32, #tpu.memory_space<vmem>>, %arg7: memref<300x900xf32, #tpu.memory_space<vmem>>, %arg8: memref<300x900xf32, #tpu.memory_space<vmem>>, %arg9: memref<1x900xf32, #tpu.memory_space<vmem>>, %arg10: memref<900x768xf32, #tpu.memory_space<vmem>>, %arg11: memref<1536x768xf32, #tpu.memory_space<vmem>>, %arg12: memref<8x768x96xf32, #tpu.memory_space<vmem>>, %arg13: memref<8x768x96xf32, #tpu.memory_space<vmem>>, %arg14: memref<8x768x96xf32, #tpu.memory_space<vmem>>, %arg15: memref<8x96x768xf32, #tpu.memory_space<vmem>>, %arg16: memref<1x768xf32, #tpu.memory_space<vmem>>, %arg17: memref<1x768xf32, #tpu.memory_space<vmem>>, %arg18: memref<1x1xf32, #tpu.memory_space<vmem>>, %arg19: memref<1x1xf32, #tpu.memory_space<vmem>>, %arg20: memref<1x64x768xf32, #tpu.memory_space<vmem>>, %arg21: memref<1x64x640xf32, #tpu.memory_space<vmem>>) attributes {dimension_semantics = [#tpu.dimension_semantics<arbitrary>], iteration_bounds = array<i64: 8>, scalar_prefetch = 0 : i64, scratch_operands = 0 : i64, tpu.core_type = #tpu.core_type<tc>, window_params = [{transform_indices = @transform_0, window_bounds = array<i64: 512, 300>}, {transform_indices = @transform_1, window_bounds = array<i64: 512, 300>}, {transform_indices = @transform_2, window_bounds = array<i64: 512, 300>}, {transform_indices = @transform_3, window_bounds = array<i64: 1, 64, 1536>}, {transform_indices = @transform_4, window_bounds = array<i64: 1, 12, 64, 128>}, {pipeline_mode = #tpu.pipeline_mode<synchronous>, transform_indices = @transform_5, window_bounds = array<i64: 300, 900>}, {pipeline_mode = #tpu.pipeline_mode<synchronous>, transform_indices = @transform_6, window_bounds = array<i64: 300, 900>}, {pipeline_mode = #tpu.pipeline_mode<synchronous>, transform_indices = @transform_7, window_bounds = array<i64: 300, 900>}, {pipeline_mode = #tpu.pipeline_mode<synchronous>, transform_indices = @transform_8, window_bounds = array<i64: 1, 900>}, {pipeline_mode = #tpu.pipeline_mode<synchronous>, transform_indices = @transform_9, window_bounds = array<i64: 900, 768>}, {pipeline_mode = #tpu.pipeline_mode<synchronous>, transform_indices = @transform_10, window_bounds = array<i64: 1536, 768>}, {pipeline_mode = #tpu.pipeline_mode<synchronous>, transform_indices = @transform_11, window_bounds = array<i64: 8, 768, 96>}, {pipeline_mode = #tpu.pipeline_mode<synchronous>, transform_indices = @transform_12, window_bounds = array<i64: 8, 768, 96>}, {pipeline_mode = #tpu.pipeline_mode<synchronous>, transform_indices = @transform_13, window_bounds = array<i64: 8, 768, 96>}, {pipeline_mode = #tpu.pipeline_mode<synchronous>, transform_indices = @transform_14, window_bounds = array<i64: 8, 96, 768>}, {pipeline_mode = #tpu.pipeline_mode<synchronous>, transform_indices = @transform_15, window_bounds = array<i64: 1, 768>}, {pipeline_mode = #tpu.pipeline_mode<synchronous>, transform_indices = @transform_16, window_bounds = array<i64: 1, 768>}, {pipeline_mode = #tpu.pipeline_mode<synchronous>, transform_indices = @transform_17, window_bounds = array<i64: 1, 1>}, {pipeline_mode = #tpu.pipeline_mode<synchronous>, transform_indices = @transform_18, window_bounds = array<i64: 1, 1>}, {transform_indices = @transform_19, window_bounds = array<i64: 1, 64, 768>}, {transform_indices = @transform_20, window_bounds = array<i64: 1, 64, 640>}]} {
    %get3A = arith.constant 0 : index
    %get3A_0 = arith.constant 0 : index
    %get3A_1 = vector.load %arg1[%get3A, %get3A_0] : memref<512x300xf32, #tpu.memory_space<vmem>>, vector<512x300xf32>
    %get3A_2 = arith.constant 0 : index
    %get3A_3 = arith.constant 0 : index
    %get3A_4 = vector.load %arg6[%get3A_2, %get3A_3] : memref<300x900xf32, #tpu.memory_space<vmem>>, vector<300x900xf32>
    %dot_general3A = arith.constant dense<0.000000e+00> : vector<512x900xf32>
    %dot_general3A_5 = tpu.matmul %get3A_1, %get3A_4, %dot_general3A {dimension_numbers = #tpu.dot_dimension_numbers<[1], [0], [0], [1], [0, 0, 1, 1], [], []>, transpose_lhs_hint = false} : vector<512x300xf32>, vector<300x900xf32>, vector<512x900xf32> -> vector<512x900xf32>
    %get3A_6 = arith.constant 0 : index
    %get3A_7 = arith.constant 0 : index
    %get3A_8 = vector.load %arg2[%get3A_6, %get3A_7] : memref<512x300xf32, #tpu.memory_space<vmem>>, vector<512x300xf32>
    %get3A_9 = arith.constant 0 : index
    %get3A_10 = arith.constant 0 : index
    %get3A_11 = vector.load %arg7[%get3A_9, %get3A_10] : memref<300x900xf32, #tpu.memory_space<vmem>>, vector<300x900xf32>
    %dot_general3A_12 = arith.constant dense<0.000000e+00> : vector<512x900xf32>
    %dot_general3A_13 = tpu.matmul %get3A_8, %get3A_11, %dot_general3A_12 {dimension_numbers = #tpu.dot_dimension_numbers<[1], [0], [0], [1], [0, 0, 1, 1], [], []>, transpose_lhs_hint = false} : vector<512x300xf32>, vector<300x900xf32>, vector<512x900xf32> -> vector<512x900xf32>
    %add3A = arith.addf %dot_general3A_5, %dot_general3A_13 : vector<512x900xf32>
    %get3A_14 = arith.constant 0 : index
    %get3A_15 = arith.constant 0 : index
    %get3A_16 = vector.load %arg3[%get3A_14, %get3A_15] : memref<512x300xf32, #tpu.memory_space<vmem>>, vector<512x300xf32>
    %get3A_17 = arith.constant 0 : index
    %get3A_18 = arith.constant 0 : index
    %get3A_19 = vector.load %arg8[%get3A_17, %get3A_18] : memref<300x900xf32, #tpu.memory_space<vmem>>, vector<300x900xf32>
    %dot_general3A_20 = arith.constant dense<0.000000e+00> : vector<512x900xf32>
    %dot_general3A_21 = tpu.matmul %get3A_16, %get3A_19, %dot_general3A_20 {dimension_numbers = #tpu.dot_dimension_numbers<[1], [0], [0], [1], [0, 0, 1, 1], [], []>, transpose_lhs_hint = false} : vector<512x300xf32>, vector<300x900xf32>, vector<512x900xf32> -> vector<512x900xf32>
    %add3A_22 = arith.addf %add3A, %dot_general3A_21 : vector<512x900xf32>
    %get3A_23 = arith.constant 0 : index
    %get3A_24 = arith.constant 0 : index
    %get3A_25 = vector.load %arg9[%get3A_23, %get3A_24] : memref<1x900xf32, #tpu.memory_space<vmem>>, vector<1x900xf32>
    %add3A_26 = vector.broadcast %get3A_25 : vector<1x900xf32> to vector<512x900xf32>
    %add3A_27 = arith.addf %add3A_22, %add3A_26 : vector<512x900xf32>
    %get3A_28 = arith.constant 0 : index
    %get3A_29 = arith.constant 0 : index
    %get3A_30 = vector.load %arg10[%get3A_28, %get3A_29] : memref<900x768xf32, #tpu.memory_space<vmem>>, vector<900x768xf32>
    %dot_general3A_31 = arith.constant dense<0.000000e+00> : vector<512x768xf32>
    %dot_general3A_32 = tpu.matmul %add3A_27, %get3A_30, %dot_general3A_31 {dimension_numbers = #tpu.dot_dimension_numbers<[1], [0], [0], [1], [0, 0, 1, 1], [], []>, transpose_lhs_hint = false} : vector<512x900xf32>, vector<900x768xf32>, vector<512x768xf32> -> vector<512x768xf32>
    %get3A_33 = arith.constant 0 : index
    %get3A_34 = arith.constant 0 : index
    %get3A_35 = arith.constant 0 : index
    %get3A_36 = vector.load %arg4[%get3A_33, %get3A_34, %get3A_35] : memref<1x64x1536xf32, #tpu.memory_space<vmem>>, vector<1x64x1536xf32>
    %get3A_37 = vector.shape_cast %get3A_36 : vector<1x64x1536xf32> to vector<64x1536xf32>
    %get3A_38 = arith.constant 0 : index
    %get3A_39 = arith.constant 0 : index
    %get3A_40 = vector.load %arg11[%get3A_38, %get3A_39] : memref<1536x768xf32, #tpu.memory_space<vmem>>, vector<1536x768xf32>
    %dot_general3A_41 = arith.constant dense<0.000000e+00> : vector<64x768xf32>
    %dot_general3A_42 = tpu.matmul %get3A_37, %get3A_40, %dot_general3A_41 {dimension_numbers = #tpu.dot_dimension_numbers<[1], [0], [0], [1], [0, 0, 1, 1], [], []>, transpose_lhs_hint = false} : vector<64x1536xf32>, vector<1536x768xf32>, vector<64x768xf32> -> vector<64x768xf32>
    %iota3A = tpu.iota {dimensions = array<i32: 1>} : vector<64x512xi32>
    %lt3A = arith.constant 500 : i32
    %lt3A_43 = vector.broadcast %lt3A : i32 to vector<64x512xi32>
    %lt3A_44 = arith.cmpi slt, %iota3A, %lt3A_43 : vector<64x512xi32>
    %jit3A = arith.constant 0.000000e+00 : f32
    %jit3A_45 = arith.constant -1.000000e+30 : f32
    %broadcast_in_dim3A = vector.broadcast %jit3A : f32 to vector<64x512xf32>
    %broadcast_in_dim3A_46 = vector.broadcast %jit3A_45 : f32 to vector<64x512xf32>
    %select_n3A = arith.select %lt3A_44, %broadcast_in_dim3A, %broadcast_in_dim3A_46 : vector<64x512xi1>, vector<64x512xf32>
    %broadcast_in_dim3A_47 = arith.constant 0.000000e+00 : f32
    %broadcast_in_dim3A_48 = vector.broadcast %broadcast_in_dim3A_47 : f32 to vector<64x512xf32>
    %broadcast_in_dim3A_49 = arith.constant 0.000000e+00 : f32
    %broadcast_in_dim3A_50 = vector.broadcast %broadcast_in_dim3A_49 : f32 to vector<64x768xf32>
    %get3A_51 = arith.constant 0 : index
    %get3A_52 = arith.constant 0 : index
    %get3A_53 = arith.constant 0 : index
    %get3A_54 = vector.load %arg12[%get3A_51, %get3A_52, %get3A_53] : memref<8x768x96xf32, #tpu.memory_space<vmem>>, vector<1x768x96xf32>
    %get3A_55 = vector.shape_cast %get3A_54 : vector<1x768x96xf32> to vector<768x96xf32>
    %dot_general3A_56 = arith.constant dense<0.000000e+00> : vector<64x96xf32>
    %dot_general3A_57 = tpu.matmul %dot_general3A_42, %get3A_55, %dot_general3A_56 {dimension_numbers = #tpu.dot_dimension_numbers<[1], [0], [0], [1], [0, 0, 1, 1], [], []>, transpose_lhs_hint = false} : vector<64x768xf32>, vector<768x96xf32>, vector<64x96xf32> -> vector<64x96xf32>
    %get3A_58 = arith.constant 0 : index
    %get3A_59 = arith.constant 0 : index
    %get3A_60 = arith.constant 0 : index
    %get3A_61 = vector.load %arg13[%get3A_58, %get3A_59, %get3A_60] : memref<8x768x96xf32, #tpu.memory_space<vmem>>, vector<1x768x96xf32>
    %get3A_62 = vector.shape_cast %get3A_61 : vector<1x768x96xf32> to vector<768x96xf32>
    %dot_general3A_63 = arith.constant dense<0.000000e+00> : vector<512x96xf32>
    %dot_general3A_64 = tpu.matmul %dot_general3A_32, %get3A_62, %dot_general3A_63 {dimension_numbers = #tpu.dot_dimension_numbers<[1], [0], [0], [1], [0, 0, 1, 1], [], []>, transpose_lhs_hint = false} : vector<512x768xf32>, vector<768x96xf32>, vector<512x96xf32> -> vector<512x96xf32>
    %get3A_65 = arith.constant 0 : index
    %get3A_66 = arith.constant 0 : index
    %get3A_67 = arith.constant 0 : index
    %get3A_68 = vector.load %arg14[%get3A_65, %get3A_66, %get3A_67] : memref<8x768x96xf32, #tpu.memory_space<vmem>>, vector<1x768x96xf32>
    %get3A_69 = vector.shape_cast %get3A_68 : vector<1x768x96xf32> to vector<768x96xf32>
    %dot_general3A_70 = arith.constant dense<0.000000e+00> : vector<512x96xf32>
    %dot_general3A_71 = tpu.matmul %dot_general3A_32, %get3A_69, %dot_general3A_70 {dimension_numbers = #tpu.dot_dimension_numbers<[1], [0], [0], [1], [0, 0, 1, 1], [], []>, transpose_lhs_hint = false} : vector<512x768xf32>, vector<768x96xf32>, vector<512x96xf32> -> vector<512x96xf32>
    %dot_general3A_72 = arith.constant dense<0.000000e+00> : vector<64x512xf32>
    %dot_general3A_73 = tpu.matmul %dot_general3A_57, %dot_general3A_64, %dot_general3A_72 {dimension_numbers = #tpu.dot_dimension_numbers<[1], [1], [0], [0], [0, 0, 1, 0], [], []>, transpose_lhs_hint = false} : vector<64x96xf32>, vector<512x96xf32>, vector<64x512xf32> -> vector<64x512xf32>
    %mul3A = arith.constant 0.102062076 : f32
    %mul3A_74 = vector.broadcast %mul3A : f32 to vector<64x512xf32>
    %mul3A_75 = arith.mulf %dot_general3A_73, %mul3A_74 : vector<64x512xf32>
    %add3A_76 = arith.addf %mul3A_75, %select_n3A : vector<64x512xf32>
    %reduce_max3A = arith.constant dense<0xFF800000> : vector<64xf32>
    %reduce_max3A_77 = vector.multi_reduction <maximumf>, %add3A_76, %reduce_max3A [1] : vector<64x512xf32> to vector<64xf32>
    %broadcast_in_dim3A_78 = vector.shape_cast %reduce_max3A_77 : vector<64xf32> to vector<64x1xf32>
    %sub3A = vector.broadcast %broadcast_in_dim3A_78 : vector<64x1xf32> to vector<64x512xf32>
    %sub3A_79 = arith.subf %add3A_76, %sub3A : vector<64x512xf32>
    %exp3A = math.exp %sub3A_79 : vector<64x512xf32>
    %reduce_sum3A = arith.constant dense<0.000000e+00> : vector<64xf32>
    %reduce_sum3A_80 = vector.multi_reduction <add>, %exp3A, %reduce_sum3A [1] : vector<64x512xf32> to vector<64xf32>
    %broadcast_in_dim3A_81 = vector.shape_cast %reduce_sum3A_80 : vector<64xf32> to vector<64x1xf32>
    %div3A = vector.broadcast %broadcast_in_dim3A_81 : vector<64x1xf32> to vector<64x512xf32>
    %div3A_82 = arith.divf %exp3A, %div3A : vector<64x512xf32>
    %add3A_83 = arith.addf %broadcast_in_dim3A_48, %div3A_82 : vector<64x512xf32>
    %dot_general3A_84 = arith.constant dense<0.000000e+00> : vector<64x96xf32>
    %dot_general3A_85 = tpu.matmul %div3A_82, %dot_general3A_71, %dot_general3A_84 {dimension_numbers = #tpu.dot_dimension_numbers<[1], [0], [0], [1], [0, 0, 1, 1], [], []>, transpose_lhs_hint = false} : vector<64x512xf32>, vector<512x96xf32>, vector<64x96xf32> -> vector<64x96xf32>
    %get3A_86 = arith.constant 0 : index
    %get3A_87 = arith.constant 0 : index
    %get3A_88 = arith.constant 0 : index
    %get3A_89 = vector.load %arg15[%get3A_86, %get3A_87, %get3A_88] : memref<8x96x768xf32, #tpu.memory_space<vmem>>, vector<1x96x768xf32>
    %get3A_90 = vector.shape_cast %get3A_89 : vector<1x96x768xf32> to vector<96x768xf32>
    %dot_general3A_91 = arith.constant dense<0.000000e+00> : vector<64x768xf32>
    %dot_general3A_92 = tpu.matmul %dot_general3A_85, %get3A_90, %dot_general3A_91 {dimension_numbers = #tpu.dot_dimension_numbers<[1], [0], [0], [1], [0, 0, 1, 1], [], []>, transpose_lhs_hint = false} : vector<64x96xf32>, vector<96x768xf32>, vector<64x768xf32> -> vector<64x768xf32>
    %add3A_93 = arith.addf %broadcast_in_dim3A_50, %dot_general3A_92 : vector<64x768xf32>
    %get3A_94 = arith.constant 1 : index
    %get3A_95 = arith.constant 0 : index
    %get3A_96 = arith.constant 0 : index
    %get3A_97 = vector.load %arg12[%get3A_94, %get3A_95, %get3A_96] : memref<8x768x96xf32, #tpu.memory_space<vmem>>, vector<1x768x96xf32>
    %get3A_98 = vector.shape_cast %get3A_97 : vector<1x768x96xf32> to vector<768x96xf32>
    %dot_general3A_99 = arith.constant dense<0.000000e+00> : vector<64x96xf32>
    %dot_general3A_100 = tpu.matmul %dot_general3A_42, %get3A_98, %dot_general3A_99 {dimension_numbers = #tpu.dot_dimension_numbers<[1], [0], [0], [1], [0, 0, 1, 1], [], []>, transpose_lhs_hint = false} : vector<64x768xf32>, vector<768x96xf32>, vector<64x96xf32> -> vector<64x96xf32>
    %get3A_101 = arith.constant 1 : index
    %get3A_102 = arith.constant 0 : index
    %get3A_103 = arith.constant 0 : index
    %get3A_104 = vector.load %arg13[%get3A_101, %get3A_102, %get3A_103] : memref<8x768x96xf32, #tpu.memory_space<vmem>>, vector<1x768x96xf32>
    %get3A_105 = vector.shape_cast %get3A_104 : vector<1x768x96xf32> to vector<768x96xf32>
    %dot_general3A_106 = arith.constant dense<0.000000e+00> : vector<512x96xf32>
    %dot_general3A_107 = tpu.matmul %dot_general3A_32, %get3A_105, %dot_general3A_106 {dimension_numbers = #tpu.dot_dimension_numbers<[1], [0], [0], [1], [0, 0, 1, 1], [], []>, transpose_lhs_hint = false} : vector<512x768xf32>, vector<768x96xf32>, vector<512x96xf32> -> vector<512x96xf32>
    %get3A_108 = arith.constant 1 : index
    %get3A_109 = arith.constant 0 : index
    %get3A_110 = arith.constant 0 : index
    %get3A_111 = vector.load %arg14[%get3A_108, %get3A_109, %get3A_110] : memref<8x768x96xf32, #tpu.memory_space<vmem>>, vector<1x768x96xf32>
    %get3A_112 = vector.shape_cast %get3A_111 : vector<1x768x96xf32> to vector<768x96xf32>
    %dot_general3A_113 = arith.constant dense<0.000000e+00> : vector<512x96xf32>
    %dot_general3A_114 = tpu.matmul %dot_general3A_32, %get3A_112, %dot_general3A_113 {dimension_numbers = #tpu.dot_dimension_numbers<[1], [0], [0], [1], [0, 0, 1, 1], [], []>, transpose_lhs_hint = false} : vector<512x768xf32>, vector<768x96xf32>, vector<512x96xf32> -> vector<512x96xf32>
    %dot_general3A_115 = arith.constant dense<0.000000e+00> : vector<64x512xf32>
    %dot_general3A_116 = tpu.matmul %dot_general3A_100, %dot_general3A_107, %dot_general3A_115 {dimension_numbers = #tpu.dot_dimension_numbers<[1], [1], [0], [0], [0, 0, 1, 0], [], []>, transpose_lhs_hint = false} : vector<64x96xf32>, vector<512x96xf32>, vector<64x512xf32> -> vector<64x512xf32>
    %mul3A_117 = arith.constant 0.102062076 : f32
    %mul3A_118 = vector.broadcast %mul3A_117 : f32 to vector<64x512xf32>
    %mul3A_119 = arith.mulf %dot_general3A_116, %mul3A_118 : vector<64x512xf32>
    %add3A_120 = arith.addf %mul3A_119, %select_n3A : vector<64x512xf32>
    %reduce_max3A_121 = arith.constant dense<0xFF800000> : vector<64xf32>
    %reduce_max3A_122 = vector.multi_reduction <maximumf>, %add3A_120, %reduce_max3A_121 [1] : vector<64x512xf32> to vector<64xf32>
    %broadcast_in_dim3A_123 = vector.shape_cast %reduce_max3A_122 : vector<64xf32> to vector<64x1xf32>
    %sub3A_124 = vector.broadcast %broadcast_in_dim3A_123 : vector<64x1xf32> to vector<64x512xf32>
    %sub3A_125 = arith.subf %add3A_120, %sub3A_124 : vector<64x512xf32>
    %exp3A_126 = math.exp %sub3A_125 : vector<64x512xf32>
    %reduce_sum3A_127 = arith.constant dense<0.000000e+00> : vector<64xf32>
    %reduce_sum3A_128 = vector.multi_reduction <add>, %exp3A_126, %reduce_sum3A_127 [1] : vector<64x512xf32> to vector<64xf32>
    %broadcast_in_dim3A_129 = vector.shape_cast %reduce_sum3A_128 : vector<64xf32> to vector<64x1xf32>
    %div3A_130 = vector.broadcast %broadcast_in_dim3A_129 : vector<64x1xf32> to vector<64x512xf32>
    %div3A_131 = arith.divf %exp3A_126, %div3A_130 : vector<64x512xf32>
    %add3A_132 = arith.addf %add3A_83, %div3A_131 : vector<64x512xf32>
    %dot_general3A_133 = arith.constant dense<0.000000e+00> : vector<64x96xf32>
    %dot_general3A_134 = tpu.matmul %div3A_131, %dot_general3A_114, %dot_general3A_133 {dimension_numbers = #tpu.dot_dimension_numbers<[1], [0], [0], [1], [0, 0, 1, 1], [], []>, transpose_lhs_hint = false} : vector<64x512xf32>, vector<512x96xf32>, vector<64x96xf32> -> vector<64x96xf32>
    %get3A_135 = arith.constant 1 : index
    %get3A_136 = arith.constant 0 : index
    %get3A_137 = arith.constant 0 : index
    %get3A_138 = vector.load %arg15[%get3A_135, %get3A_136, %get3A_137] : memref<8x96x768xf32, #tpu.memory_space<vmem>>, vector<1x96x768xf32>
    %get3A_139 = vector.shape_cast %get3A_138 : vector<1x96x768xf32> to vector<96x768xf32>
    %dot_general3A_140 = arith.constant dense<0.000000e+00> : vector<64x768xf32>
    %dot_general3A_141 = tpu.matmul %dot_general3A_134, %get3A_139, %dot_general3A_140 {dimension_numbers = #tpu.dot_dimension_numbers<[1], [0], [0], [1], [0, 0, 1, 1], [], []>, transpose_lhs_hint = false} : vector<64x96xf32>, vector<96x768xf32>, vector<64x768xf32> -> vector<64x768xf32>
    %add3A_142 = arith.addf %add3A_93, %dot_general3A_141 : vector<64x768xf32>
    %get3A_143 = arith.constant 2 : index
    %get3A_144 = arith.constant 0 : index
    %get3A_145 = arith.constant 0 : index
    %get3A_146 = vector.load %arg12[%get3A_143, %get3A_144, %get3A_145] : memref<8x768x96xf32, #tpu.memory_space<vmem>>, vector<1x768x96xf32>
    %get3A_147 = vector.shape_cast %get3A_146 : vector<1x768x96xf32> to vector<768x96xf32>
    %dot_general3A_148 = arith.constant dense<0.000000e+00> : vector<64x96xf32>
    %dot_general3A_149 = tpu.matmul %dot_general3A_42, %get3A_147, %dot_general3A_148 {dimension_numbers = #tpu.dot_dimension_numbers<[1], [0], [0], [1], [0, 0, 1, 1], [], []>, transpose_lhs_hint = false} : vector<64x768xf32>, vector<768x96xf32>, vector<64x96xf32> -> vector<64x96xf32>
    %get3A_150 = arith.constant 2 : index
    %get3A_151 = arith.constant 0 : index
    %get3A_152 = arith.constant 0 : index
    %get3A_153 = vector.load %arg13[%get3A_150, %get3A_151, %get3A_152] : memref<8x768x96xf32, #tpu.memory_space<vmem>>, vector<1x768x96xf32>
    %get3A_154 = vector.shape_cast %get3A_153 : vector<1x768x96xf32> to vector<768x96xf32>
    %dot_general3A_155 = arith.constant dense<0.000000e+00> : vector<512x96xf32>
    %dot_general3A_156 = tpu.matmul %dot_general3A_32, %get3A_154, %dot_general3A_155 {dimension_numbers = #tpu.dot_dimension_numbers<[1], [0], [0], [1], [0, 0, 1, 1], [], []>, transpose_lhs_hint = false} : vector<512x768xf32>, vector<768x96xf32>, vector<512x96xf32> -> vector<512x96xf32>
    %get3A_157 = arith.constant 2 : index
    %get3A_158 = arith.constant 0 : index
    %get3A_159 = arith.constant 0 : index
    %get3A_160 = vector.load %arg14[%get3A_157, %get3A_158, %get3A_159] : memref<8x768x96xf32, #tpu.memory_space<vmem>>, vector<1x768x96xf32>
    %get3A_161 = vector.shape_cast %get3A_160 : vector<1x768x96xf32> to vector<768x96xf32>
    %dot_general3A_162 = arith.constant dense<0.000000e+00> : vector<512x96xf32>
    %dot_general3A_163 = tpu.matmul %dot_general3A_32, %get3A_161, %dot_general3A_162 {dimension_numbers = #tpu.dot_dimension_numbers<[1], [0], [0], [1], [0, 0, 1, 1], [], []>, transpose_lhs_hint = false} : vector<512x768xf32>, vector<768x96xf32>, vector<512x96xf32> -> vector<512x96xf32>
    %dot_general3A_164 = arith.constant dense<0.000000e+00> : vector<64x512xf32>
    %dot_general3A_165 = tpu.matmul %dot_general3A_149, %dot_general3A_156, %dot_general3A_164 {dimension_numbers = #tpu.dot_dimension_numbers<[1], [1], [0], [0], [0, 0, 1, 0], [], []>, transpose_lhs_hint = false} : vector<64x96xf32>, vector<512x96xf32>, vector<64x512xf32> -> vector<64x512xf32>
    %mul3A_166 = arith.constant 0.102062076 : f32
    %mul3A_167 = vector.broadcast %mul3A_166 : f32 to vector<64x512xf32>
    %mul3A_168 = arith.mulf %dot_general3A_165, %mul3A_167 : vector<64x512xf32>
    %add3A_169 = arith.addf %mul3A_168, %select_n3A : vector<64x512xf32>
    %reduce_max3A_170 = arith.constant dense<0xFF800000> : vector<64xf32>
    %reduce_max3A_171 = vector.multi_reduction <maximumf>, %add3A_169, %reduce_max3A_170 [1] : vector<64x512xf32> to vector<64xf32>
    %broadcast_in_dim3A_172 = vector.shape_cast %reduce_max3A_171 : vector<64xf32> to vector<64x1xf32>
    %sub3A_173 = vector.broadcast %broadcast_in_dim3A_172 : vector<64x1xf32> to vector<64x512xf32>
    %sub3A_174 = arith.subf %add3A_169, %sub3A_173 : vector<64x512xf32>
    %exp3A_175 = math.exp %sub3A_174 : vector<64x512xf32>
    %reduce_sum3A_176 = arith.constant dense<0.000000e+00> : vector<64xf32>
    %reduce_sum3A_177 = vector.multi_reduction <add>, %exp3A_175, %reduce_sum3A_176 [1] : vector<64x512xf32> to vector<64xf32>
    %broadcast_in_dim3A_178 = vector.shape_cast %reduce_sum3A_177 : vector<64xf32> to vector<64x1xf32>
    %div3A_179 = vector.broadcast %broadcast_in_dim3A_178 : vector<64x1xf32> to vector<64x512xf32>
    %div3A_180 = arith.divf %exp3A_175, %div3A_179 : vector<64x512xf32>
    %add3A_181 = arith.addf %add3A_132, %div3A_180 : vector<64x512xf32>
    %dot_general3A_182 = arith.constant dense<0.000000e+00> : vector<64x96xf32>
    %dot_general3A_183 = tpu.matmul %div3A_180, %dot_general3A_163, %dot_general3A_182 {dimension_numbers = #tpu.dot_dimension_numbers<[1], [0], [0], [1], [0, 0, 1, 1], [], []>, transpose_lhs_hint = false} : vector<64x512xf32>, vector<512x96xf32>, vector<64x96xf32> -> vector<64x96xf32>
    %get3A_184 = arith.constant 2 : index
    %get3A_185 = arith.constant 0 : index
    %get3A_186 = arith.constant 0 : index
    %get3A_187 = vector.load %arg15[%get3A_184, %get3A_185, %get3A_186] : memref<8x96x768xf32, #tpu.memory_space<vmem>>, vector<1x96x768xf32>
    %get3A_188 = vector.shape_cast %get3A_187 : vector<1x96x768xf32> to vector<96x768xf32>
    %dot_general3A_189 = arith.constant dense<0.000000e+00> : vector<64x768xf32>
    %dot_general3A_190 = tpu.matmul %dot_general3A_183, %get3A_188, %dot_general3A_189 {dimension_numbers = #tpu.dot_dimension_numbers<[1], [0], [0], [1], [0, 0, 1, 1], [], []>, transpose_lhs_hint = false} : vector<64x96xf32>, vector<96x768xf32>, vector<64x768xf32> -> vector<64x768xf32>
    %add3A_191 = arith.addf %add3A_142, %dot_general3A_190 : vector<64x768xf32>
    %get3A_192 = arith.constant 3 : index
    %get3A_193 = arith.constant 0 : index
    %get3A_194 = arith.constant 0 : index
    %get3A_195 = vector.load %arg12[%get3A_192, %get3A_193, %get3A_194] : memref<8x768x96xf32, #tpu.memory_space<vmem>>, vector<1x768x96xf32>
    %get3A_196 = vector.shape_cast %get3A_195 : vector<1x768x96xf32> to vector<768x96xf32>
    %dot_general3A_197 = arith.constant dense<0.000000e+00> : vector<64x96xf32>
    %dot_general3A_198 = tpu.matmul %dot_general3A_42, %get3A_196, %dot_general3A_197 {dimension_numbers = #tpu.dot_dimension_numbers<[1], [0], [0], [1], [0, 0, 1, 1], [], []>, transpose_lhs_hint = false} : vector<64x768xf32>, vector<768x96xf32>, vector<64x96xf32> -> vector<64x96xf32>
    %get3A_199 = arith.constant 3 : index
    %get3A_200 = arith.constant 0 : index
    %get3A_201 = arith.constant 0 : index
    %get3A_202 = vector.load %arg13[%get3A_199, %get3A_200, %get3A_201] : memref<8x768x96xf32, #tpu.memory_space<vmem>>, vector<1x768x96xf32>
    %get3A_203 = vector.shape_cast %get3A_202 : vector<1x768x96xf32> to vector<768x96xf32>
    %dot_general3A_204 = arith.constant dense<0.000000e+00> : vector<512x96xf32>
    %dot_general3A_205 = tpu.matmul %dot_general3A_32, %get3A_203, %dot_general3A_204 {dimension_numbers = #tpu.dot_dimension_numbers<[1], [0], [0], [1], [0, 0, 1, 1], [], []>, transpose_lhs_hint = false} : vector<512x768xf32>, vector<768x96xf32>, vector<512x96xf32> -> vector<512x96xf32>
    %get3A_206 = arith.constant 3 : index
    %get3A_207 = arith.constant 0 : index
    %get3A_208 = arith.constant 0 : index
    %get3A_209 = vector.load %arg14[%get3A_206, %get3A_207, %get3A_208] : memref<8x768x96xf32, #tpu.memory_space<vmem>>, vector<1x768x96xf32>
    %get3A_210 = vector.shape_cast %get3A_209 : vector<1x768x96xf32> to vector<768x96xf32>
    %dot_general3A_211 = arith.constant dense<0.000000e+00> : vector<512x96xf32>
    %dot_general3A_212 = tpu.matmul %dot_general3A_32, %get3A_210, %dot_general3A_211 {dimension_numbers = #tpu.dot_dimension_numbers<[1], [0], [0], [1], [0, 0, 1, 1], [], []>, transpose_lhs_hint = false} : vector<512x768xf32>, vector<768x96xf32>, vector<512x96xf32> -> vector<512x96xf32>
    %dot_general3A_213 = arith.constant dense<0.000000e+00> : vector<64x512xf32>
    %dot_general3A_214 = tpu.matmul %dot_general3A_198, %dot_general3A_205, %dot_general3A_213 {dimension_numbers = #tpu.dot_dimension_numbers<[1], [1], [0], [0], [0, 0, 1, 0], [], []>, transpose_lhs_hint = false} : vector<64x96xf32>, vector<512x96xf32>, vector<64x512xf32> -> vector<64x512xf32>
    %mul3A_215 = arith.constant 0.102062076 : f32
    %mul3A_216 = vector.broadcast %mul3A_215 : f32 to vector<64x512xf32>
    %mul3A_217 = arith.mulf %dot_general3A_214, %mul3A_216 : vector<64x512xf32>
    %add3A_218 = arith.addf %mul3A_217, %select_n3A : vector<64x512xf32>
    %reduce_max3A_219 = arith.constant dense<0xFF800000> : vector<64xf32>
    %reduce_max3A_220 = vector.multi_reduction <maximumf>, %add3A_218, %reduce_max3A_219 [1] : vector<64x512xf32> to vector<64xf32>
    %broadcast_in_dim3A_221 = vector.shape_cast %reduce_max3A_220 : vector<64xf32> to vector<64x1xf32>
    %sub3A_222 = vector.broadcast %broadcast_in_dim3A_221 : vector<64x1xf32> to vector<64x512xf32>
    %sub3A_223 = arith.subf %add3A_218, %sub3A_222 : vector<64x512xf32>
    %exp3A_224 = math.exp %sub3A_223 : vector<64x512xf32>
    %reduce_sum3A_225 = arith.constant dense<0.000000e+00> : vector<64xf32>
    %reduce_sum3A_226 = vector.multi_reduction <add>, %exp3A_224, %reduce_sum3A_225 [1] : vector<64x512xf32> to vector<64xf32>
    %broadcast_in_dim3A_227 = vector.shape_cast %reduce_sum3A_226 : vector<64xf32> to vector<64x1xf32>
    %div3A_228 = vector.broadcast %broadcast_in_dim3A_227 : vector<64x1xf32> to vector<64x512xf32>
    %div3A_229 = arith.divf %exp3A_224, %div3A_228 : vector<64x512xf32>
    %add3A_230 = arith.addf %add3A_181, %div3A_229 : vector<64x512xf32>
    %dot_general3A_231 = arith.constant dense<0.000000e+00> : vector<64x96xf32>
    %dot_general3A_232 = tpu.matmul %div3A_229, %dot_general3A_212, %dot_general3A_231 {dimension_numbers = #tpu.dot_dimension_numbers<[1], [0], [0], [1], [0, 0, 1, 1], [], []>, transpose_lhs_hint = false} : vector<64x512xf32>, vector<512x96xf32>, vector<64x96xf32> -> vector<64x96xf32>
    %get3A_233 = arith.constant 3 : index
    %get3A_234 = arith.constant 0 : index
    %get3A_235 = arith.constant 0 : index
    %get3A_236 = vector.load %arg15[%get3A_233, %get3A_234, %get3A_235] : memref<8x96x768xf32, #tpu.memory_space<vmem>>, vector<1x96x768xf32>
    %get3A_237 = vector.shape_cast %get3A_236 : vector<1x96x768xf32> to vector<96x768xf32>
    %dot_general3A_238 = arith.constant dense<0.000000e+00> : vector<64x768xf32>
    %dot_general3A_239 = tpu.matmul %dot_general3A_232, %get3A_237, %dot_general3A_238 {dimension_numbers = #tpu.dot_dimension_numbers<[1], [0], [0], [1], [0, 0, 1, 1], [], []>, transpose_lhs_hint = false} : vector<64x96xf32>, vector<96x768xf32>, vector<64x768xf32> -> vector<64x768xf32>
    %add3A_240 = arith.addf %add3A_191, %dot_general3A_239 : vector<64x768xf32>
    %get3A_241 = arith.constant 4 : index
    %get3A_242 = arith.constant 0 : index
    %get3A_243 = arith.constant 0 : index
    %get3A_244 = vector.load %arg12[%get3A_241, %get3A_242, %get3A_243] : memref<8x768x96xf32, #tpu.memory_space<vmem>>, vector<1x768x96xf32>
    %get3A_245 = vector.shape_cast %get3A_244 : vector<1x768x96xf32> to vector<768x96xf32>
    %dot_general3A_246 = arith.constant dense<0.000000e+00> : vector<64x96xf32>
    %dot_general3A_247 = tpu.matmul %dot_general3A_42, %get3A_245, %dot_general3A_246 {dimension_numbers = #tpu.dot_dimension_numbers<[1], [0], [0], [1], [0, 0, 1, 1], [], []>, transpose_lhs_hint = false} : vector<64x768xf32>, vector<768x96xf32>, vector<64x96xf32> -> vector<64x96xf32>
    %get3A_248 = arith.constant 4 : index
    %get3A_249 = arith.constant 0 : index
    %get3A_250 = arith.constant 0 : index
    %get3A_251 = vector.load %arg13[%get3A_248, %get3A_249, %get3A_250] : memref<8x768x96xf32, #tpu.memory_space<vmem>>, vector<1x768x96xf32>
    %get3A_252 = vector.shape_cast %get3A_251 : vector<1x768x96xf32> to vector<768x96xf32>
    %dot_general3A_253 = arith.constant dense<0.000000e+00> : vector<512x96xf32>
    %dot_general3A_254 = tpu.matmul %dot_general3A_32, %get3A_252, %dot_general3A_253 {dimension_numbers = #tpu.dot_dimension_numbers<[1], [0], [0], [1], [0, 0, 1, 1], [], []>, transpose_lhs_hint = false} : vector<512x768xf32>, vector<768x96xf32>, vector<512x96xf32> -> vector<512x96xf32>
    %get3A_255 = arith.constant 4 : index
    %get3A_256 = arith.constant 0 : index
    %get3A_257 = arith.constant 0 : index
    %get3A_258 = vector.load %arg14[%get3A_255, %get3A_256, %get3A_257] : memref<8x768x96xf32, #tpu.memory_space<vmem>>, vector<1x768x96xf32>
    %get3A_259 = vector.shape_cast %get3A_258 : vector<1x768x96xf32> to vector<768x96xf32>
    %dot_general3A_260 = arith.constant dense<0.000000e+00> : vector<512x96xf32>
    %dot_general3A_261 = tpu.matmul %dot_general3A_32, %get3A_259, %dot_general3A_260 {dimension_numbers = #tpu.dot_dimension_numbers<[1], [0], [0], [1], [0, 0, 1, 1], [], []>, transpose_lhs_hint = false} : vector<512x768xf32>, vector<768x96xf32>, vector<512x96xf32> -> vector<512x96xf32>
    %dot_general3A_262 = arith.constant dense<0.000000e+00> : vector<64x512xf32>
    %dot_general3A_263 = tpu.matmul %dot_general3A_247, %dot_general3A_254, %dot_general3A_262 {dimension_numbers = #tpu.dot_dimension_numbers<[1], [1], [0], [0], [0, 0, 1, 0], [], []>, transpose_lhs_hint = false} : vector<64x96xf32>, vector<512x96xf32>, vector<64x512xf32> -> vector<64x512xf32>
    %mul3A_264 = arith.constant 0.102062076 : f32
    %mul3A_265 = vector.broadcast %mul3A_264 : f32 to vector<64x512xf32>
    %mul3A_266 = arith.mulf %dot_general3A_263, %mul3A_265 : vector<64x512xf32>
    %add3A_267 = arith.addf %mul3A_266, %select_n3A : vector<64x512xf32>
    %reduce_max3A_268 = arith.constant dense<0xFF800000> : vector<64xf32>
    %reduce_max3A_269 = vector.multi_reduction <maximumf>, %add3A_267, %reduce_max3A_268 [1] : vector<64x512xf32> to vector<64xf32>
    %broadcast_in_dim3A_270 = vector.shape_cast %reduce_max3A_269 : vector<64xf32> to vector<64x1xf32>
    %sub3A_271 = vector.broadcast %broadcast_in_dim3A_270 : vector<64x1xf32> to vector<64x512xf32>
    %sub3A_272 = arith.subf %add3A_267, %sub3A_271 : vector<64x512xf32>
    %exp3A_273 = math.exp %sub3A_272 : vector<64x512xf32>
    %reduce_sum3A_274 = arith.constant dense<0.000000e+00> : vector<64xf32>
    %reduce_sum3A_275 = vector.multi_reduction <add>, %exp3A_273, %reduce_sum3A_274 [1] : vector<64x512xf32> to vector<64xf32>
    %broadcast_in_dim3A_276 = vector.shape_cast %reduce_sum3A_275 : vector<64xf32> to vector<64x1xf32>
    %div3A_277 = vector.broadcast %broadcast_in_dim3A_276 : vector<64x1xf32> to vector<64x512xf32>
    %div3A_278 = arith.divf %exp3A_273, %div3A_277 : vector<64x512xf32>
    %add3A_279 = arith.addf %add3A_230, %div3A_278 : vector<64x512xf32>
    %dot_general3A_280 = arith.constant dense<0.000000e+00> : vector<64x96xf32>
    %dot_general3A_281 = tpu.matmul %div3A_278, %dot_general3A_261, %dot_general3A_280 {dimension_numbers = #tpu.dot_dimension_numbers<[1], [0], [0], [1], [0, 0, 1, 1], [], []>, transpose_lhs_hint = false} : vector<64x512xf32>, vector<512x96xf32>, vector<64x96xf32> -> vector<64x96xf32>
    %get3A_282 = arith.constant 4 : index
    %get3A_283 = arith.constant 0 : index
    %get3A_284 = arith.constant 0 : index
    %get3A_285 = vector.load %arg15[%get3A_282, %get3A_283, %get3A_284] : memref<8x96x768xf32, #tpu.memory_space<vmem>>, vector<1x96x768xf32>
    %get3A_286 = vector.shape_cast %get3A_285 : vector<1x96x768xf32> to vector<96x768xf32>
    %dot_general3A_287 = arith.constant dense<0.000000e+00> : vector<64x768xf32>
    %dot_general3A_288 = tpu.matmul %dot_general3A_281, %get3A_286, %dot_general3A_287 {dimension_numbers = #tpu.dot_dimension_numbers<[1], [0], [0], [1], [0, 0, 1, 1], [], []>, transpose_lhs_hint = false} : vector<64x96xf32>, vector<96x768xf32>, vector<64x768xf32> -> vector<64x768xf32>
    %add3A_289 = arith.addf %add3A_240, %dot_general3A_288 : vector<64x768xf32>
    %get3A_290 = arith.constant 5 : index
    %get3A_291 = arith.constant 0 : index
    %get3A_292 = arith.constant 0 : index
    %get3A_293 = vector.load %arg12[%get3A_290, %get3A_291, %get3A_292] : memref<8x768x96xf32, #tpu.memory_space<vmem>>, vector<1x768x96xf32>
    %get3A_294 = vector.shape_cast %get3A_293 : vector<1x768x96xf32> to vector<768x96xf32>
    %dot_general3A_295 = arith.constant dense<0.000000e+00> : vector<64x96xf32>
    %dot_general3A_296 = tpu.matmul %dot_general3A_42, %get3A_294, %dot_general3A_295 {dimension_numbers = #tpu.dot_dimension_numbers<[1], [0], [0], [1], [0, 0, 1, 1], [], []>, transpose_lhs_hint = false} : vector<64x768xf32>, vector<768x96xf32>, vector<64x96xf32> -> vector<64x96xf32>
    %get3A_297 = arith.constant 5 : index
    %get3A_298 = arith.constant 0 : index
    %get3A_299 = arith.constant 0 : index
    %get3A_300 = vector.load %arg13[%get3A_297, %get3A_298, %get3A_299] : memref<8x768x96xf32, #tpu.memory_space<vmem>>, vector<1x768x96xf32>
    %get3A_301 = vector.shape_cast %get3A_300 : vector<1x768x96xf32> to vector<768x96xf32>
    %dot_general3A_302 = arith.constant dense<0.000000e+00> : vector<512x96xf32>
    %dot_general3A_303 = tpu.matmul %dot_general3A_32, %get3A_301, %dot_general3A_302 {dimension_numbers = #tpu.dot_dimension_numbers<[1], [0], [0], [1], [0, 0, 1, 1], [], []>, transpose_lhs_hint = false} : vector<512x768xf32>, vector<768x96xf32>, vector<512x96xf32> -> vector<512x96xf32>
    %get3A_304 = arith.constant 5 : index
    %get3A_305 = arith.constant 0 : index
    %get3A_306 = arith.constant 0 : index
    %get3A_307 = vector.load %arg14[%get3A_304, %get3A_305, %get3A_306] : memref<8x768x96xf32, #tpu.memory_space<vmem>>, vector<1x768x96xf32>
    %get3A_308 = vector.shape_cast %get3A_307 : vector<1x768x96xf32> to vector<768x96xf32>
    %dot_general3A_309 = arith.constant dense<0.000000e+00> : vector<512x96xf32>
    %dot_general3A_310 = tpu.matmul %dot_general3A_32, %get3A_308, %dot_general3A_309 {dimension_numbers = #tpu.dot_dimension_numbers<[1], [0], [0], [1], [0, 0, 1, 1], [], []>, transpose_lhs_hint = false} : vector<512x768xf32>, vector<768x96xf32>, vector<512x96xf32> -> vector<512x96xf32>
    %dot_general3A_311 = arith.constant dense<0.000000e+00> : vector<64x512xf32>
    %dot_general3A_312 = tpu.matmul %dot_general3A_296, %dot_general3A_303, %dot_general3A_311 {dimension_numbers = #tpu.dot_dimension_numbers<[1], [1], [0], [0], [0, 0, 1, 0], [], []>, transpose_lhs_hint = false} : vector<64x96xf32>, vector<512x96xf32>, vector<64x512xf32> -> vector<64x512xf32>
    %mul3A_313 = arith.constant 0.102062076 : f32
    %mul3A_314 = vector.broadcast %mul3A_313 : f32 to vector<64x512xf32>
    %mul3A_315 = arith.mulf %dot_general3A_312, %mul3A_314 : vector<64x512xf32>
    %add3A_316 = arith.addf %mul3A_315, %select_n3A : vector<64x512xf32>
    %reduce_max3A_317 = arith.constant dense<0xFF800000> : vector<64xf32>
    %reduce_max3A_318 = vector.multi_reduction <maximumf>, %add3A_316, %reduce_max3A_317 [1] : vector<64x512xf32> to vector<64xf32>
    %broadcast_in_dim3A_319 = vector.shape_cast %reduce_max3A_318 : vector<64xf32> to vector<64x1xf32>
    %sub3A_320 = vector.broadcast %broadcast_in_dim3A_319 : vector<64x1xf32> to vector<64x512xf32>
    %sub3A_321 = arith.subf %add3A_316, %sub3A_320 : vector<64x512xf32>
    %exp3A_322 = math.exp %sub3A_321 : vector<64x512xf32>
    %reduce_sum3A_323 = arith.constant dense<0.000000e+00> : vector<64xf32>
    %reduce_sum3A_324 = vector.multi_reduction <add>, %exp3A_322, %reduce_sum3A_323 [1] : vector<64x512xf32> to vector<64xf32>
    %broadcast_in_dim3A_325 = vector.shape_cast %reduce_sum3A_324 : vector<64xf32> to vector<64x1xf32>
    %div3A_326 = vector.broadcast %broadcast_in_dim3A_325 : vector<64x1xf32> to vector<64x512xf32>
    %div3A_327 = arith.divf %exp3A_322, %div3A_326 : vector<64x512xf32>
    %add3A_328 = arith.addf %add3A_279, %div3A_327 : vector<64x512xf32>
    %dot_general3A_329 = arith.constant dense<0.000000e+00> : vector<64x96xf32>
    %dot_general3A_330 = tpu.matmul %div3A_327, %dot_general3A_310, %dot_general3A_329 {dimension_numbers = #tpu.dot_dimension_numbers<[1], [0], [0], [1], [0, 0, 1, 1], [], []>, transpose_lhs_hint = false} : vector<64x512xf32>, vector<512x96xf32>, vector<64x96xf32> -> vector<64x96xf32>
    %get3A_331 = arith.constant 5 : index
    %get3A_332 = arith.constant 0 : index
    %get3A_333 = arith.constant 0 : index
    %get3A_334 = vector.load %arg15[%get3A_331, %get3A_332, %get3A_333] : memref<8x96x768xf32, #tpu.memory_space<vmem>>, vector<1x96x768xf32>
    %get3A_335 = vector.shape_cast %get3A_334 : vector<1x96x768xf32> to vector<96x768xf32>
    %dot_general3A_336 = arith.constant dense<0.000000e+00> : vector<64x768xf32>
    %dot_general3A_337 = tpu.matmul %dot_general3A_330, %get3A_335, %dot_general3A_336 {dimension_numbers = #tpu.dot_dimension_numbers<[1], [0], [0], [1], [0, 0, 1, 1], [], []>, transpose_lhs_hint = false} : vector<64x96xf32>, vector<96x768xf32>, vector<64x768xf32> -> vector<64x768xf32>
    %add3A_338 = arith.addf %add3A_289, %dot_general3A_337 : vector<64x768xf32>
    %get3A_339 = arith.constant 6 : index
    %get3A_340 = arith.constant 0 : index
    %get3A_341 = arith.constant 0 : index
    %get3A_342 = vector.load %arg12[%get3A_339, %get3A_340, %get3A_341] : memref<8x768x96xf32, #tpu.memory_space<vmem>>, vector<1x768x96xf32>
    %get3A_343 = vector.shape_cast %get3A_342 : vector<1x768x96xf32> to vector<768x96xf32>
    %dot_general3A_344 = arith.constant dense<0.000000e+00> : vector<64x96xf32>
    %dot_general3A_345 = tpu.matmul %dot_general3A_42, %get3A_343, %dot_general3A_344 {dimension_numbers = #tpu.dot_dimension_numbers<[1], [0], [0], [1], [0, 0, 1, 1], [], []>, transpose_lhs_hint = false} : vector<64x768xf32>, vector<768x96xf32>, vector<64x96xf32> -> vector<64x96xf32>
    %get3A_346 = arith.constant 6 : index
    %get3A_347 = arith.constant 0 : index
    %get3A_348 = arith.constant 0 : index
    %get3A_349 = vector.load %arg13[%get3A_346, %get3A_347, %get3A_348] : memref<8x768x96xf32, #tpu.memory_space<vmem>>, vector<1x768x96xf32>
    %get3A_350 = vector.shape_cast %get3A_349 : vector<1x768x96xf32> to vector<768x96xf32>
    %dot_general3A_351 = arith.constant dense<0.000000e+00> : vector<512x96xf32>
    %dot_general3A_352 = tpu.matmul %dot_general3A_32, %get3A_350, %dot_general3A_351 {dimension_numbers = #tpu.dot_dimension_numbers<[1], [0], [0], [1], [0, 0, 1, 1], [], []>, transpose_lhs_hint = false} : vector<512x768xf32>, vector<768x96xf32>, vector<512x96xf32> -> vector<512x96xf32>
    %get3A_353 = arith.constant 6 : index
    %get3A_354 = arith.constant 0 : index
    %get3A_355 = arith.constant 0 : index
    %get3A_356 = vector.load %arg14[%get3A_353, %get3A_354, %get3A_355] : memref<8x768x96xf32, #tpu.memory_space<vmem>>, vector<1x768x96xf32>
    %get3A_357 = vector.shape_cast %get3A_356 : vector<1x768x96xf32> to vector<768x96xf32>
    %dot_general3A_358 = arith.constant dense<0.000000e+00> : vector<512x96xf32>
    %dot_general3A_359 = tpu.matmul %dot_general3A_32, %get3A_357, %dot_general3A_358 {dimension_numbers = #tpu.dot_dimension_numbers<[1], [0], [0], [1], [0, 0, 1, 1], [], []>, transpose_lhs_hint = false} : vector<512x768xf32>, vector<768x96xf32>, vector<512x96xf32> -> vector<512x96xf32>
    %dot_general3A_360 = arith.constant dense<0.000000e+00> : vector<64x512xf32>
    %dot_general3A_361 = tpu.matmul %dot_general3A_345, %dot_general3A_352, %dot_general3A_360 {dimension_numbers = #tpu.dot_dimension_numbers<[1], [1], [0], [0], [0, 0, 1, 0], [], []>, transpose_lhs_hint = false} : vector<64x96xf32>, vector<512x96xf32>, vector<64x512xf32> -> vector<64x512xf32>
    %mul3A_362 = arith.constant 0.102062076 : f32
    %mul3A_363 = vector.broadcast %mul3A_362 : f32 to vector<64x512xf32>
    %mul3A_364 = arith.mulf %dot_general3A_361, %mul3A_363 : vector<64x512xf32>
    %add3A_365 = arith.addf %mul3A_364, %select_n3A : vector<64x512xf32>
    %reduce_max3A_366 = arith.constant dense<0xFF800000> : vector<64xf32>
    %reduce_max3A_367 = vector.multi_reduction <maximumf>, %add3A_365, %reduce_max3A_366 [1] : vector<64x512xf32> to vector<64xf32>
    %broadcast_in_dim3A_368 = vector.shape_cast %reduce_max3A_367 : vector<64xf32> to vector<64x1xf32>
    %sub3A_369 = vector.broadcast %broadcast_in_dim3A_368 : vector<64x1xf32> to vector<64x512xf32>
    %sub3A_370 = arith.subf %add3A_365, %sub3A_369 : vector<64x512xf32>
    %exp3A_371 = math.exp %sub3A_370 : vector<64x512xf32>
    %reduce_sum3A_372 = arith.constant dense<0.000000e+00> : vector<64xf32>
    %reduce_sum3A_373 = vector.multi_reduction <add>, %exp3A_371, %reduce_sum3A_372 [1] : vector<64x512xf32> to vector<64xf32>
    %broadcast_in_dim3A_374 = vector.shape_cast %reduce_sum3A_373 : vector<64xf32> to vector<64x1xf32>
    %div3A_375 = vector.broadcast %broadcast_in_dim3A_374 : vector<64x1xf32> to vector<64x512xf32>
    %div3A_376 = arith.divf %exp3A_371, %div3A_375 : vector<64x512xf32>
    %add3A_377 = arith.addf %add3A_328, %div3A_376 : vector<64x512xf32>
    %dot_general3A_378 = arith.constant dense<0.000000e+00> : vector<64x96xf32>
    %dot_general3A_379 = tpu.matmul %div3A_376, %dot_general3A_359, %dot_general3A_378 {dimension_numbers = #tpu.dot_dimension_numbers<[1], [0], [0], [1], [0, 0, 1, 1], [], []>, transpose_lhs_hint = false} : vector<64x512xf32>, vector<512x96xf32>, vector<64x96xf32> -> vector<64x96xf32>
    %get3A_380 = arith.constant 6 : index
    %get3A_381 = arith.constant 0 : index
    %get3A_382 = arith.constant 0 : index
    %get3A_383 = vector.load %arg15[%get3A_380, %get3A_381, %get3A_382] : memref<8x96x768xf32, #tpu.memory_space<vmem>>, vector<1x96x768xf32>
    %get3A_384 = vector.shape_cast %get3A_383 : vector<1x96x768xf32> to vector<96x768xf32>
    %dot_general3A_385 = arith.constant dense<0.000000e+00> : vector<64x768xf32>
    %dot_general3A_386 = tpu.matmul %dot_general3A_379, %get3A_384, %dot_general3A_385 {dimension_numbers = #tpu.dot_dimension_numbers<[1], [0], [0], [1], [0, 0, 1, 1], [], []>, transpose_lhs_hint = false} : vector<64x96xf32>, vector<96x768xf32>, vector<64x768xf32> -> vector<64x768xf32>
    %add3A_387 = arith.addf %add3A_338, %dot_general3A_386 : vector<64x768xf32>
    %get3A_388 = arith.constant 7 : index
    %get3A_389 = arith.constant 0 : index
    %get3A_390 = arith.constant 0 : index
    %get3A_391 = vector.load %arg12[%get3A_388, %get3A_389, %get3A_390] : memref<8x768x96xf32, #tpu.memory_space<vmem>>, vector<1x768x96xf32>
    %get3A_392 = vector.shape_cast %get3A_391 : vector<1x768x96xf32> to vector<768x96xf32>
    %dot_general3A_393 = arith.constant dense<0.000000e+00> : vector<64x96xf32>
    %dot_general3A_394 = tpu.matmul %dot_general3A_42, %get3A_392, %dot_general3A_393 {dimension_numbers = #tpu.dot_dimension_numbers<[1], [0], [0], [1], [0, 0, 1, 1], [], []>, transpose_lhs_hint = false} : vector<64x768xf32>, vector<768x96xf32>, vector<64x96xf32> -> vector<64x96xf32>
    %get3A_395 = arith.constant 7 : index
    %get3A_396 = arith.constant 0 : index
    %get3A_397 = arith.constant 0 : index
    %get3A_398 = vector.load %arg13[%get3A_395, %get3A_396, %get3A_397] : memref<8x768x96xf32, #tpu.memory_space<vmem>>, vector<1x768x96xf32>
    %get3A_399 = vector.shape_cast %get3A_398 : vector<1x768x96xf32> to vector<768x96xf32>
    %dot_general3A_400 = arith.constant dense<0.000000e+00> : vector<512x96xf32>
    %dot_general3A_401 = tpu.matmul %dot_general3A_32, %get3A_399, %dot_general3A_400 {dimension_numbers = #tpu.dot_dimension_numbers<[1], [0], [0], [1], [0, 0, 1, 1], [], []>, transpose_lhs_hint = false} : vector<512x768xf32>, vector<768x96xf32>, vector<512x96xf32> -> vector<512x96xf32>
    %get3A_402 = arith.constant 7 : index
    %get3A_403 = arith.constant 0 : index
    %get3A_404 = arith.constant 0 : index
    %get3A_405 = vector.load %arg14[%get3A_402, %get3A_403, %get3A_404] : memref<8x768x96xf32, #tpu.memory_space<vmem>>, vector<1x768x96xf32>
    %get3A_406 = vector.shape_cast %get3A_405 : vector<1x768x96xf32> to vector<768x96xf32>
    %dot_general3A_407 = arith.constant dense<0.000000e+00> : vector<512x96xf32>
    %dot_general3A_408 = tpu.matmul %dot_general3A_32, %get3A_406, %dot_general3A_407 {dimension_numbers = #tpu.dot_dimension_numbers<[1], [0], [0], [1], [0, 0, 1, 1], [], []>, transpose_lhs_hint = false} : vector<512x768xf32>, vector<768x96xf32>, vector<512x96xf32> -> vector<512x96xf32>
    %dot_general3A_409 = arith.constant dense<0.000000e+00> : vector<64x512xf32>
    %dot_general3A_410 = tpu.matmul %dot_general3A_394, %dot_general3A_401, %dot_general3A_409 {dimension_numbers = #tpu.dot_dimension_numbers<[1], [1], [0], [0], [0, 0, 1, 0], [], []>, transpose_lhs_hint = false} : vector<64x96xf32>, vector<512x96xf32>, vector<64x512xf32> -> vector<64x512xf32>
    %mul3A_411 = arith.constant 0.102062076 : f32
    %mul3A_412 = vector.broadcast %mul3A_411 : f32 to vector<64x512xf32>
    %mul3A_413 = arith.mulf %dot_general3A_410, %mul3A_412 : vector<64x512xf32>
    %add3A_414 = arith.addf %mul3A_413, %select_n3A : vector<64x512xf32>
    %reduce_max3A_415 = arith.constant dense<0xFF800000> : vector<64xf32>
    %reduce_max3A_416 = vector.multi_reduction <maximumf>, %add3A_414, %reduce_max3A_415 [1] : vector<64x512xf32> to vector<64xf32>
    %broadcast_in_dim3A_417 = vector.shape_cast %reduce_max3A_416 : vector<64xf32> to vector<64x1xf32>
    %sub3A_418 = vector.broadcast %broadcast_in_dim3A_417 : vector<64x1xf32> to vector<64x512xf32>
    %sub3A_419 = arith.subf %add3A_414, %sub3A_418 : vector<64x512xf32>
    %exp3A_420 = math.exp %sub3A_419 : vector<64x512xf32>
    %reduce_sum3A_421 = arith.constant dense<0.000000e+00> : vector<64xf32>
    %reduce_sum3A_422 = vector.multi_reduction <add>, %exp3A_420, %reduce_sum3A_421 [1] : vector<64x512xf32> to vector<64xf32>
    %broadcast_in_dim3A_423 = vector.shape_cast %reduce_sum3A_422 : vector<64xf32> to vector<64x1xf32>
    %div3A_424 = vector.broadcast %broadcast_in_dim3A_423 : vector<64x1xf32> to vector<64x512xf32>
    %div3A_425 = arith.divf %exp3A_420, %div3A_424 : vector<64x512xf32>
    %add3A_426 = arith.addf %add3A_377, %div3A_425 : vector<64x512xf32>
    %dot_general3A_427 = arith.constant dense<0.000000e+00> : vector<64x96xf32>
    %dot_general3A_428 = tpu.matmul %div3A_425, %dot_general3A_408, %dot_general3A_427 {dimension_numbers = #tpu.dot_dimension_numbers<[1], [0], [0], [1], [0, 0, 1, 1], [], []>, transpose_lhs_hint = false} : vector<64x512xf32>, vector<512x96xf32>, vector<64x96xf32> -> vector<64x96xf32>
    %get3A_429 = arith.constant 7 : index
    %get3A_430 = arith.constant 0 : index
    %get3A_431 = arith.constant 0 : index
    %get3A_432 = vector.load %arg15[%get3A_429, %get3A_430, %get3A_431] : memref<8x96x768xf32, #tpu.memory_space<vmem>>, vector<1x96x768xf32>
    %get3A_433 = vector.shape_cast %get3A_432 : vector<1x96x768xf32> to vector<96x768xf32>
    %dot_general3A_434 = arith.constant dense<0.000000e+00> : vector<64x768xf32>
    %dot_general3A_435 = tpu.matmul %dot_general3A_428, %get3A_433, %dot_general3A_434 {dimension_numbers = #tpu.dot_dimension_numbers<[1], [0], [0], [1], [0, 0, 1, 1], [], []>, transpose_lhs_hint = false} : vector<64x96xf32>, vector<96x768xf32>, vector<64x768xf32> -> vector<64x768xf32>
    %add3A_436 = arith.addf %add3A_387, %dot_general3A_435 : vector<64x768xf32>
    %mul3A_437 = arith.constant 1.250000e-01 : f32
    %mul3A_438 = vector.broadcast %mul3A_437 : f32 to vector<64x512xf32>
    %mul3A_439 = arith.mulf %add3A_426, %mul3A_438 : vector<64x512xf32>
    %get3A_440 = arith.constant 0 : index
    %get3A_441 = arith.constant 0 : index
    %get3A_442 = arith.constant 0 : index
    %get3A_443 = arith.constant 0 : index
    %get3A_444 = vector.load %arg5[%get3A_440, %get3A_441, %get3A_442, %get3A_443] : memref<1x12x64x128xf32, #tpu.memory_space<vmem>>, vector<1x12x64x128xf32>
    %get3A_445 = vector.shape_cast %get3A_444 : vector<1x12x64x128xf32> to vector<12x64x128xf32>
    %reduce_sum3A_446 = arith.constant dense<0.000000e+00> : vector<64x128xf32>
    %reduce_sum3A_447 = vector.multi_reduction <add>, %get3A_445, %reduce_sum3A_446 [0] : vector<12x64x128xf32> to vector<64x128xf32>
    %div3A_448 = arith.constant 1.200000e+01 : f32
    %div3A_449 = vector.broadcast %div3A_448 : f32 to vector<64x128xf32>
    %div3A_450 = arith.divf %reduce_sum3A_447, %div3A_449 : vector<64x128xf32>
    %get3A_451 = arith.constant 0 : index
    %get3A_452 = arith.constant 0 : index
    %get3A_453 = vector.load %arg16[%get3A_451, %get3A_452] : memref<1x768xf32, #tpu.memory_space<vmem>>, vector<1x768xf32>
    %mul3A_454 = vector.broadcast %get3A_453 : vector<1x768xf32> to vector<64x768xf32>
    %mul3A_455 = arith.mulf %dot_general3A_42, %mul3A_454 : vector<64x768xf32>
    %reduce_sum3A_456 = arith.constant dense<0.000000e+00> : vector<64xf32>
    %reduce_sum3A_457 = vector.multi_reduction <add>, %mul3A_455, %reduce_sum3A_456 [1] : vector<64x768xf32> to vector<64xf32>
    %broadcast_in_dim3A_458 = vector.shape_cast %reduce_sum3A_457 : vector<64xf32> to vector<64x1xf32>
    %get3A_459 = arith.constant 0 : index
    %get3A_460 = arith.constant 0 : index
    %get3A_461 = vector.load %arg18[%get3A_459, %get3A_460] : memref<1x1xf32, #tpu.memory_space<vmem>>, vector<1x1xf32>
    %get3A_462 = vector.extract %get3A_461[0, 0] : f32 from vector<1x1xf32>
    %add3A_463 = vector.broadcast %get3A_462 : f32 to vector<64x1xf32>
    %add3A_464 = arith.addf %broadcast_in_dim3A_458, %add3A_463 : vector<64x1xf32>
    %logistic3A = arith.negf %add3A_464 : vector<64x1xf32>
    %logistic3A_465 = math.exp %logistic3A : vector<64x1xf32>
    %logistic3A_466 = arith.constant 1.000000e+00 : f32
    %logistic3A_467 = vector.broadcast %logistic3A_466 : f32 to vector<64x1xf32>
    %logistic3A_468 = arith.addf %logistic3A_467, %logistic3A_465 : vector<64x1xf32>
    %logistic3A_469 = arith.divf %logistic3A_467, %logistic3A_468 : vector<64x1xf32>
    %get3A_470 = arith.constant 0 : index
    %get3A_471 = arith.constant 0 : index
    %get3A_472 = vector.load %arg17[%get3A_470, %get3A_471] : memref<1x768xf32, #tpu.memory_space<vmem>>, vector<1x768xf32>
    %mul3A_473 = vector.broadcast %get3A_472 : vector<1x768xf32> to vector<64x768xf32>
    %mul3A_474 = arith.mulf %add3A_436, %mul3A_473 : vector<64x768xf32>
    %reduce_sum3A_475 = arith.constant dense<0.000000e+00> : vector<64xf32>
    %reduce_sum3A_476 = vector.multi_reduction <add>, %mul3A_474, %reduce_sum3A_475 [1] : vector<64x768xf32> to vector<64xf32>
    %broadcast_in_dim3A_477 = vector.shape_cast %reduce_sum3A_476 : vector<64xf32> to vector<64x1xf32>
    %get3A_478 = arith.constant 0 : index
    %get3A_479 = arith.constant 0 : index
    %get3A_480 = vector.load %arg19[%get3A_478, %get3A_479] : memref<1x1xf32, #tpu.memory_space<vmem>>, vector<1x1xf32>
    %get3A_481 = vector.extract %get3A_480[0, 0] : f32 from vector<1x1xf32>
    %add3A_482 = vector.broadcast %get3A_481 : f32 to vector<64x1xf32>
    %add3A_483 = arith.addf %broadcast_in_dim3A_477, %add3A_482 : vector<64x1xf32>
    %logistic3A_484 = arith.negf %add3A_483 : vector<64x1xf32>
    %logistic3A_485 = math.exp %logistic3A_484 : vector<64x1xf32>
    %logistic3A_486 = arith.constant 1.000000e+00 : f32
    %logistic3A_487 = vector.broadcast %logistic3A_486 : f32 to vector<64x1xf32>
    %logistic3A_488 = arith.addf %logistic3A_487, %logistic3A_485 : vector<64x1xf32>
    %logistic3A_489 = arith.divf %logistic3A_487, %logistic3A_488 : vector<64x1xf32>
    %sub3A_490 = arith.constant 1.000000e+00 : f32
    %sub3A_491 = vector.broadcast %sub3A_490 : f32 to vector<64x1xf32>
    %sub3A_492 = arith.subf %sub3A_491, %logistic3A_489 : vector<64x1xf32>
    %mul3A_493 = arith.mulf %sub3A_492, %logistic3A_469 : vector<64x1xf32>
    %mul3A_494 = vector.broadcast %mul3A_493 : vector<64x1xf32> to vector<64x768xf32>
    %mul3A_495 = arith.mulf %dot_general3A_42, %mul3A_494 : vector<64x768xf32>
    %broadcast_in_dim3A_496 = vector.shape_cast %mul3A_495 : vector<64x768xf32> to vector<1x64x768xf32>
    %swap3A = arith.constant 0 : index
    %swap3A_497 = arith.constant 0 : index
    %swap3A_498 = arith.constant 0 : index
    %swap3A_499 = vector.load %arg20[%swap3A, %swap3A_497, %swap3A_498] : memref<1x64x768xf32, #tpu.memory_space<vmem>>, vector<1x64x768xf32>
    tpu.vector_store %arg20[%swap3A, %swap3A_497, %swap3A_498], %broadcast_in_dim3A_496 {strides = array<i32>} : memref<1x64x768xf32, #tpu.memory_space<vmem>>, vector<1x64x768xf32>,
    %sub3A_500 = arith.constant 1.000000e+00 : f32
    %sub3A_501 = vector.broadcast %sub3A_500 : f32 to vector<64x1xf32>
    %sub3A_502 = arith.subf %sub3A_501, %logistic3A_489 : vector<64x1xf32>
    %sub3A_503 = arith.constant 1.000000e+00 : f32
    %sub3A_504 = vector.broadcast %sub3A_503 : f32 to vector<64x1xf32>
    %sub3A_505 = arith.subf %sub3A_504, %logistic3A_469 : vector<64x1xf32>
    %mul3A_506 = arith.mulf %sub3A_502, %sub3A_505 : vector<64x1xf32>
    %mul3A_507 = vector.broadcast %mul3A_506 : vector<64x1xf32> to vector<64x128xf32>
    %mul3A_508 = arith.mulf %div3A_450, %mul3A_507 : vector<64x128xf32>
    %mul3A_509 = vector.broadcast %logistic3A_489 : vector<64x1xf32> to vector<64x512xf32>
    %mul3A_510 = arith.mulf %mul3A_439, %mul3A_509 : vector<64x512xf32>
    %concatenate3A = tpu.concatenate %mul3A_508, %mul3A_510 in 1 : vector<64x128xf32>, vector<64x512xf32> -> vector<64x640xf32>
    %broadcast_in_dim3A_511 = vector.shape_cast %concatenate3A : vector<64x640xf32> to vector<1x64x640xf32>
    %swap3A_512 = arith.constant 0 : index
    %swap3A_513 = arith.constant 0 : index
    %swap3A_514 = arith.constant 0 : index
    %swap3A_515 = vector.load %arg21[%swap3A_512, %swap3A_513, %swap3A_514] : memref<1x64x640xf32, #tpu.memory_space<vmem>>, vector<1x64x640xf32>
    tpu.vector_store %arg21[%swap3A_512, %swap3A_513, %swap3A_514], %broadcast_in_dim3A_511 {strides = array<i32>} : memref<1x64x640xf32, #tpu.memory_space<vmem>>, vector<1x64x640xf32>,
    return
  }
  func.func @transform_0(%arg0: i32) -> (i32, i32) {
    %c0_i32 = arith.constant 0 : i32
    %c0_i32_0 = arith.constant 0 : i32
    return %arg0, %c0_i32 : i32, i32
  }
  func.func @transform_1(%arg0: i32) -> (i32, i32) {
    %c0_i32 = arith.constant 0 : i32
    %c0_i32_0 = arith.constant 0 : i32
    return %arg0, %c0_i32 : i32, i32
  }
  func.func @transform_2(%arg0: i32) -> (i32, i32) {
    %c0_i32 = arith.constant 0 : i32
    %c0_i32_0 = arith.constant 0 : i32
    return %arg0, %c0_i32 : i32, i32
  }
  func.func @transform_3(%arg0: i32) -> (i32, i32, i32) {
    %c0_i32 = arith.constant 0 : i32
    %c0_i32_0 = arith.constant 0 : i32
    %c0_i32_1 = arith.constant 0 : i32
    return %arg0, %c0_i32, %c0_i32_0 : i32, i32, i32
  }
  func.func @transform_4(%arg0: i32) -> (i32, i32, i32, i32) {
    %c0_i32 = arith.constant 0 : i32
    %c0_i32_0 = arith.constant 0 : i32
    %c0_i32_1 = arith.constant 0 : i32
    %c0_i32_2 = arith.constant 0 : i32
    return %arg0, %c0_i32, %c0_i32_0, %c0_i32_1 : i32, i32, i32, i32
  }
  func.func @transform_5(%arg0: i32) -> (i32, i32) {
    %c0_i32 = arith.constant 0 : i32
    %c0_i32_0 = arith.constant 0 : i32
    %c0_i32_1 = arith.constant 0 : i32
    return %c0_i32, %c0_i32_0 : i32, i32
  }
  func.func @transform_6(%arg0: i32) -> (i32, i32) {
    %c0_i32 = arith.constant 0 : i32
    %c0_i32_0 = arith.constant 0 : i32
    %c0_i32_1 = arith.constant 0 : i32
    return %c0_i32, %c0_i32_0 : i32, i32
  }
  func.func @transform_7(%arg0: i32) -> (i32, i32) {
    %c0_i32 = arith.constant 0 : i32
    %c0_i32_0 = arith.constant 0 : i32
    %c0_i32_1 = arith.constant 0 : i32
    return %c0_i32, %c0_i32_0 : i32, i32
  }
  func.func @transform_8(%arg0: i32) -> (i32, i32) {
    %c0_i32 = arith.constant 0 : i32
    %c0_i32_0 = arith.constant 0 : i32
    %c0_i32_1 = arith.constant 0 : i32
    return %c0_i32, %c0_i32_0 : i32, i32
  }
  func.func @transform_9(%arg0: i32) -> (i32, i32) {
    %c0_i32 = arith.constant 0 : i32
    %c0_i32_0 = arith.constant 0 : i32
    %c0_i32_1 = arith.constant 0 : i32
    return %c0_i32, %c0_i32_0 : i32, i32
  }
  func.func @transform_10(%arg0: i32) -> (i32, i32) {
    %c0_i32 = arith.constant 0 : i32
    %c0_i32_0 = arith.constant 0 : i32
    %c0_i32_1 = arith.constant 0 : i32
    return %c0_i32, %c0_i32_0 : i32, i32
  }
  func.func @transform_11(%arg0: i32) -> (i32, i32, i32) {
    %c0_i32 = arith.constant 0 : i32
    %c0_i32_0 = arith.constant 0 : i32
    %c0_i32_1 = arith.constant 0 : i32
    %c0_i32_2 = arith.constant 0 : i32
    return %c0_i32, %c0_i32_0, %c0_i32_1 : i32, i32, i32
  }
  func.func @transform_12(%arg0: i32) -> (i32, i32, i32) {
    %c0_i32 = arith.constant 0 : i32
    %c0_i32_0 = arith.constant 0 : i32
    %c0_i32_1 = arith.constant 0 : i32
    %c0_i32_2 = arith.constant 0 : i32
    return %c0_i32, %c0_i32_0, %c0_i32_1 : i32, i32, i32
  }
  func.func @transform_13(%arg0: i32) -> (i32, i32, i32) {
    %c0_i32 = arith.constant 0 : i32
    %c0_i32_0 = arith.constant 0 : i32
    %c0_i32_1 = arith.constant 0 : i32
    %c0_i32_2 = arith.constant 0 : i32
    return %c0_i32, %c0_i32_0, %c0_i32_1 : i32, i32, i32
  }
  func.func @transform_14(%arg0: i32) -> (i32, i32, i32) {
    %c0_i32 = arith.constant 0 : i32
    %c0_i32_0 = arith.constant 0 : i32
    %c0_i32_1 = arith.constant 0 : i32
    %c0_i32_2 = arith.constant 0 : i32
    return %c0_i32, %c0_i32_0, %c0_i32_1 : i32, i32, i32
  }
  func.func @transform_15(%arg0: i32) -> (i32, i32) {
    %c0_i32 = arith.constant 0 : i32
    %c0_i32_0 = arith.constant 0 : i32
    %c0_i32_1 = arith.constant 0 : i32
    return %c0_i32, %c0_i32_0 : i32, i32
  }
  func.func @transform_16(%arg0: i32) -> (i32, i32) {
    %c0_i32 = arith.constant 0 : i32
    %c0_i32_0 = arith.constant 0 : i32
    %c0_i32_1 = arith.constant 0 : i32
    return %c0_i32, %c0_i32_0 : i32, i32
  }
  func.func @transform_17(%arg0: i32) -> (i32, i32) {
    %c0_i32 = arith.constant 0 : i32
    %c0_i32_0 = arith.constant 0 : i32
    %c0_i32_1 = arith.constant 0 : i32
    return %c0_i32, %c0_i32_0 : i32, i32
  }
  func.func @transform_18(%arg0: i32) -> (i32, i32) {
    %c0_i32 = arith.constant 0 : i32
    %c0_i32_0 = arith.constant 0 : i32
    %c0_i32_1 = arith.constant 0 : i32
    return %c0_i32, %c0_i32_0 : i32, i32
  }
  func.func @transform_19(%arg0: i32) -> (i32, i32, i32) {
    %c0_i32 = arith.constant 0 : i32
    %c0_i32_0 = arith.constant 0 : i32
    %c0_i32_1 = arith.constant 0 : i32
    return %arg0, %c0_i32, %c0_i32_0 : i32, i32, i32
  }
  func.func @transform_20(%arg0: i32) -> (i32, i32, i32) {
    %c0_i32 = arith.constant 0 : i32
    %c0_i32_0 = arith.constant 0 : i32
    %c0_i32_1 = arith.constant 0 : i32
    return %arg0, %c0_i32, %c0_i32_0 : i32, i32, i32
  }
}

module attributes {stable_mosaic.version = 14 : i64} {
  func.func @_vocab_body(%arg0: i32, %arg1: memref<512x768xf32, #tpu.memory_space<vmem>>, %arg2: memref<8x64x640xf32, #tpu.memory_space<vmem>>, %arg3: memref<8x640x1xi32, #tpu.memory_space<vmem>>, %arg4: memref<768x2048xf32, #tpu.memory_space<vmem>>, %arg5: memref<8x64x2048xf32, #tpu.memory_space<vmem>>) attributes {dimension_semantics = [#tpu.dimension_semantics<arbitrary>], iteration_bounds = array<i64: 25>, scalar_prefetch = 0 : i64, scratch_operands = 0 : i64, tpu.core_type = #tpu.core_type<tc>, window_params = [{pipeline_mode = #tpu.pipeline_mode<synchronous>, transform_indices = @transform_0, window_bounds = array<i64: 512, 768>}, {pipeline_mode = #tpu.pipeline_mode<synchronous>, transform_indices = @transform_1, window_bounds = array<i64: 8, 64, 640>}, {pipeline_mode = #tpu.pipeline_mode<synchronous>, transform_indices = @transform_2, window_bounds = array<i64: 8, 640, 1>}, {transform_indices = @transform_3, window_bounds = array<i64: 768, 2048>}, {transform_indices = @transform_4, window_bounds = array<i64: 8, 64, 2048>}]} {
    %get3A = arith.constant 0 : index
    %get3A_0 = arith.constant 0 : index
    %get3A_1 = vector.load %arg1[%get3A, %get3A_0] : memref<512x768xf32, #tpu.memory_space<vmem>>, vector<512x768xf32>
    %get3A_2 = arith.constant 0 : index
    %get3A_3 = arith.constant 0 : index
    %get3A_4 = vector.load %arg4[%get3A_2, %get3A_3] : memref<768x2048xf32, #tpu.memory_space<vmem>>, vector<768x2048xf32>
    %dot_general3A = arith.constant dense<0.000000e+00> : vector<512x2048xf32>
    %dot_general3A_5 = tpu.matmul %get3A_1, %get3A_4, %dot_general3A {dimension_numbers = #tpu.dot_dimension_numbers<[1], [0], [0], [1], [0, 0, 1, 1], [], []>, transpose_lhs_hint = false} : vector<512x768xf32>, vector<768x2048xf32>, vector<512x2048xf32> -> vector<512x2048xf32>
    %reshape3A = vector.shape_cast %dot_general3A_5 : vector<512x2048xf32> to vector<8x64x2048xf32>
    %mul3A = arith.constant 2048 : i32
    %mul3A_6 = arith.muli %arg0, %mul3A : i32
    %iota3A = tpu.iota {dimensions = array<i32: 1>} : vector<640x2048xi32>
    %add3A = vector.broadcast %mul3A_6 : i32 to vector<640x2048xi32>
    %add3A_7 = arith.addi %add3A, %iota3A : vector<640x2048xi32>
    %get3A_8 = arith.constant 0 : index
    %get3A_9 = arith.constant 0 : index
    %get3A_10 = arith.constant 0 : index
    %get3A_11 = vector.load %arg3[%get3A_8, %get3A_9, %get3A_10] : memref<8x640x1xi32, #tpu.memory_space<vmem>>, vector<1x640x1xi32>
    %get3A_12 = vector.shape_cast %get3A_11 : vector<1x640x1xi32> to vector<640x1xi32>
    %eq3A = vector.broadcast %get3A_12 : vector<640x1xi32> to vector<640x2048xi32>
    %eq3A_13 = arith.cmpi eq, %eq3A, %add3A_7 : vector<640x2048xi32>
    %convert_element_type3A = arith.extui %eq3A_13 : vector<640x2048xi1> to vector<640x2048xi32>
    %convert_element_type3A_14 = arith.sitofp %convert_element_type3A : vector<640x2048xi32> to vector<640x2048xf32>
    %get3A_15 = arith.constant 0 : index
    %get3A_16 = arith.constant 0 : index
    %get3A_17 = arith.constant 0 : index
    %get3A_18 = vector.load %arg2[%get3A_15, %get3A_16, %get3A_17] : memref<8x64x640xf32, #tpu.memory_space<vmem>>, vector<1x64x640xf32>
    %get3A_19 = vector.shape_cast %get3A_18 : vector<1x64x640xf32> to vector<64x640xf32>
    %dot_general3A_20 = arith.constant dense<0.000000e+00> : vector<64x2048xf32>
    %dot_general3A_21 = tpu.matmul %get3A_19, %convert_element_type3A_14, %dot_general3A_20 {dimension_numbers = #tpu.dot_dimension_numbers<[1], [0], [0], [1], [0, 0, 1, 1], [], []>, transpose_lhs_hint = false} : vector<64x640xf32>, vector<640x2048xf32>, vector<64x2048xf32> -> vector<64x2048xf32>
    %slice3A = vector.extract_strided_slice %reshape3A {offsets = [0, 0, 0], sizes = [1, 64, 2048], strides = [1, 1, 1]} : vector<8x64x2048xf32> to vector<1x64x2048xf32>
    %squeeze3A = vector.shape_cast %slice3A : vector<1x64x2048xf32> to vector<64x2048xf32>
    %add3A_22 = arith.addf %squeeze3A, %dot_general3A_21 : vector<64x2048xf32>
    %swap3A = arith.constant 0 : index
    %swap3A_23 = arith.constant 0 : index
    %swap3A_24 = arith.constant 0 : index
    %swap3A_25 = vector.load %arg5[%swap3A, %swap3A_23, %swap3A_24] : memref<8x64x2048xf32, #tpu.memory_space<vmem>>, vector<1x64x2048xf32>
    %swap3A_26 = vector.shape_cast %swap3A_25 : vector<1x64x2048xf32> to vector<64x2048xf32>
    %swap3A_27 = vector.shape_cast %add3A_22 : vector<64x2048xf32> to vector<1x64x2048xf32>
    tpu.vector_store %arg5[%swap3A, %swap3A_23, %swap3A_24], %swap3A_27 {strides = array<i32>} : memref<8x64x2048xf32, #tpu.memory_space<vmem>>, vector<1x64x2048xf32>,
    %get3A_28 = arith.constant 1 : index
    %get3A_29 = arith.constant 0 : index
    %get3A_30 = arith.constant 0 : index
    %get3A_31 = vector.load %arg3[%get3A_28, %get3A_29, %get3A_30] : memref<8x640x1xi32, #tpu.memory_space<vmem>>, vector<1x640x1xi32>
    %get3A_32 = vector.shape_cast %get3A_31 : vector<1x640x1xi32> to vector<640x1xi32>
    %eq3A_33 = vector.broadcast %get3A_32 : vector<640x1xi32> to vector<640x2048xi32>
    %eq3A_34 = arith.cmpi eq, %eq3A_33, %add3A_7 : vector<640x2048xi32>
    %convert_element_type3A_35 = arith.extui %eq3A_34 : vector<640x2048xi1> to vector<640x2048xi32>
    %convert_element_type3A_36 = arith.sitofp %convert_element_type3A_35 : vector<640x2048xi32> to vector<640x2048xf32>
    %get3A_37 = arith.constant 1 : index
    %get3A_38 = arith.constant 0 : index
    %get3A_39 = arith.constant 0 : index
    %get3A_40 = vector.load %arg2[%get3A_37, %get3A_38, %get3A_39] : memref<8x64x640xf32, #tpu.memory_space<vmem>>, vector<1x64x640xf32>
    %get3A_41 = vector.shape_cast %get3A_40 : vector<1x64x640xf32> to vector<64x640xf32>
    %dot_general3A_42 = arith.constant dense<0.000000e+00> : vector<64x2048xf32>
    %dot_general3A_43 = tpu.matmul %get3A_41, %convert_element_type3A_36, %dot_general3A_42 {dimension_numbers = #tpu.dot_dimension_numbers<[1], [0], [0], [1], [0, 0, 1, 1], [], []>, transpose_lhs_hint = false} : vector<64x640xf32>, vector<640x2048xf32>, vector<64x2048xf32> -> vector<64x2048xf32>
    %slice3A_44 = vector.extract_strided_slice %reshape3A {offsets = [1, 0, 0], sizes = [1, 64, 2048], strides = [1, 1, 1]} : vector<8x64x2048xf32> to vector<1x64x2048xf32>
    %squeeze3A_45 = vector.shape_cast %slice3A_44 : vector<1x64x2048xf32> to vector<64x2048xf32>
    %add3A_46 = arith.addf %squeeze3A_45, %dot_general3A_43 : vector<64x2048xf32>
    %swap3A_47 = arith.constant 1 : index
    %swap3A_48 = arith.constant 0 : index
    %swap3A_49 = arith.constant 0 : index
    %swap3A_50 = vector.load %arg5[%swap3A_47, %swap3A_48, %swap3A_49] : memref<8x64x2048xf32, #tpu.memory_space<vmem>>, vector<1x64x2048xf32>
    %swap3A_51 = vector.shape_cast %swap3A_50 : vector<1x64x2048xf32> to vector<64x2048xf32>
    %swap3A_52 = vector.shape_cast %add3A_46 : vector<64x2048xf32> to vector<1x64x2048xf32>
    tpu.vector_store %arg5[%swap3A_47, %swap3A_48, %swap3A_49], %swap3A_52 {strides = array<i32>} : memref<8x64x2048xf32, #tpu.memory_space<vmem>>, vector<1x64x2048xf32>,
    %get3A_53 = arith.constant 2 : index
    %get3A_54 = arith.constant 0 : index
    %get3A_55 = arith.constant 0 : index
    %get3A_56 = vector.load %arg3[%get3A_53, %get3A_54, %get3A_55] : memref<8x640x1xi32, #tpu.memory_space<vmem>>, vector<1x640x1xi32>
    %get3A_57 = vector.shape_cast %get3A_56 : vector<1x640x1xi32> to vector<640x1xi32>
    %eq3A_58 = vector.broadcast %get3A_57 : vector<640x1xi32> to vector<640x2048xi32>
    %eq3A_59 = arith.cmpi eq, %eq3A_58, %add3A_7 : vector<640x2048xi32>
    %convert_element_type3A_60 = arith.extui %eq3A_59 : vector<640x2048xi1> to vector<640x2048xi32>
    %convert_element_type3A_61 = arith.sitofp %convert_element_type3A_60 : vector<640x2048xi32> to vector<640x2048xf32>
    %get3A_62 = arith.constant 2 : index
    %get3A_63 = arith.constant 0 : index
    %get3A_64 = arith.constant 0 : index
    %get3A_65 = vector.load %arg2[%get3A_62, %get3A_63, %get3A_64] : memref<8x64x640xf32, #tpu.memory_space<vmem>>, vector<1x64x640xf32>
    %get3A_66 = vector.shape_cast %get3A_65 : vector<1x64x640xf32> to vector<64x640xf32>
    %dot_general3A_67 = arith.constant dense<0.000000e+00> : vector<64x2048xf32>
    %dot_general3A_68 = tpu.matmul %get3A_66, %convert_element_type3A_61, %dot_general3A_67 {dimension_numbers = #tpu.dot_dimension_numbers<[1], [0], [0], [1], [0, 0, 1, 1], [], []>, transpose_lhs_hint = false} : vector<64x640xf32>, vector<640x2048xf32>, vector<64x2048xf32> -> vector<64x2048xf32>
    %slice3A_69 = vector.extract_strided_slice %reshape3A {offsets = [2, 0, 0], sizes = [1, 64, 2048], strides = [1, 1, 1]} : vector<8x64x2048xf32> to vector<1x64x2048xf32>
    %squeeze3A_70 = vector.shape_cast %slice3A_69 : vector<1x64x2048xf32> to vector<64x2048xf32>
    %add3A_71 = arith.addf %squeeze3A_70, %dot_general3A_68 : vector<64x2048xf32>
    %swap3A_72 = arith.constant 2 : index
    %swap3A_73 = arith.constant 0 : index
    %swap3A_74 = arith.constant 0 : index
    %swap3A_75 = vector.load %arg5[%swap3A_72, %swap3A_73, %swap3A_74] : memref<8x64x2048xf32, #tpu.memory_space<vmem>>, vector<1x64x2048xf32>
    %swap3A_76 = vector.shape_cast %swap3A_75 : vector<1x64x2048xf32> to vector<64x2048xf32>
    %swap3A_77 = vector.shape_cast %add3A_71 : vector<64x2048xf32> to vector<1x64x2048xf32>
    tpu.vector_store %arg5[%swap3A_72, %swap3A_73, %swap3A_74], %swap3A_77 {strides = array<i32>} : memref<8x64x2048xf32, #tpu.memory_space<vmem>>, vector<1x64x2048xf32>,
    %get3A_78 = arith.constant 3 : index
    %get3A_79 = arith.constant 0 : index
    %get3A_80 = arith.constant 0 : index
    %get3A_81 = vector.load %arg3[%get3A_78, %get3A_79, %get3A_80] : memref<8x640x1xi32, #tpu.memory_space<vmem>>, vector<1x640x1xi32>
    %get3A_82 = vector.shape_cast %get3A_81 : vector<1x640x1xi32> to vector<640x1xi32>
    %eq3A_83 = vector.broadcast %get3A_82 : vector<640x1xi32> to vector<640x2048xi32>
    %eq3A_84 = arith.cmpi eq, %eq3A_83, %add3A_7 : vector<640x2048xi32>
    %convert_element_type3A_85 = arith.extui %eq3A_84 : vector<640x2048xi1> to vector<640x2048xi32>
    %convert_element_type3A_86 = arith.sitofp %convert_element_type3A_85 : vector<640x2048xi32> to vector<640x2048xf32>
    %get3A_87 = arith.constant 3 : index
    %get3A_88 = arith.constant 0 : index
    %get3A_89 = arith.constant 0 : index
    %get3A_90 = vector.load %arg2[%get3A_87, %get3A_88, %get3A_89] : memref<8x64x640xf32, #tpu.memory_space<vmem>>, vector<1x64x640xf32>
    %get3A_91 = vector.shape_cast %get3A_90 : vector<1x64x640xf32> to vector<64x640xf32>
    %dot_general3A_92 = arith.constant dense<0.000000e+00> : vector<64x2048xf32>
    %dot_general3A_93 = tpu.matmul %get3A_91, %convert_element_type3A_86, %dot_general3A_92 {dimension_numbers = #tpu.dot_dimension_numbers<[1], [0], [0], [1], [0, 0, 1, 1], [], []>, transpose_lhs_hint = false} : vector<64x640xf32>, vector<640x2048xf32>, vector<64x2048xf32> -> vector<64x2048xf32>
    %slice3A_94 = vector.extract_strided_slice %reshape3A {offsets = [3, 0, 0], sizes = [1, 64, 2048], strides = [1, 1, 1]} : vector<8x64x2048xf32> to vector<1x64x2048xf32>
    %squeeze3A_95 = vector.shape_cast %slice3A_94 : vector<1x64x2048xf32> to vector<64x2048xf32>
    %add3A_96 = arith.addf %squeeze3A_95, %dot_general3A_93 : vector<64x2048xf32>
    %swap3A_97 = arith.constant 3 : index
    %swap3A_98 = arith.constant 0 : index
    %swap3A_99 = arith.constant 0 : index
    %swap3A_100 = vector.load %arg5[%swap3A_97, %swap3A_98, %swap3A_99] : memref<8x64x2048xf32, #tpu.memory_space<vmem>>, vector<1x64x2048xf32>
    %swap3A_101 = vector.shape_cast %swap3A_100 : vector<1x64x2048xf32> to vector<64x2048xf32>
    %swap3A_102 = vector.shape_cast %add3A_96 : vector<64x2048xf32> to vector<1x64x2048xf32>
    tpu.vector_store %arg5[%swap3A_97, %swap3A_98, %swap3A_99], %swap3A_102 {strides = array<i32>} : memref<8x64x2048xf32, #tpu.memory_space<vmem>>, vector<1x64x2048xf32>,
    %get3A_103 = arith.constant 4 : index
    %get3A_104 = arith.constant 0 : index
    %get3A_105 = arith.constant 0 : index
    %get3A_106 = vector.load %arg3[%get3A_103, %get3A_104, %get3A_105] : memref<8x640x1xi32, #tpu.memory_space<vmem>>, vector<1x640x1xi32>
    %get3A_107 = vector.shape_cast %get3A_106 : vector<1x640x1xi32> to vector<640x1xi32>
    %eq3A_108 = vector.broadcast %get3A_107 : vector<640x1xi32> to vector<640x2048xi32>
    %eq3A_109 = arith.cmpi eq, %eq3A_108, %add3A_7 : vector<640x2048xi32>
    %convert_element_type3A_110 = arith.extui %eq3A_109 : vector<640x2048xi1> to vector<640x2048xi32>
    %convert_element_type3A_111 = arith.sitofp %convert_element_type3A_110 : vector<640x2048xi32> to vector<640x2048xf32>
    %get3A_112 = arith.constant 4 : index
    %get3A_113 = arith.constant 0 : index
    %get3A_114 = arith.constant 0 : index
    %get3A_115 = vector.load %arg2[%get3A_112, %get3A_113, %get3A_114] : memref<8x64x640xf32, #tpu.memory_space<vmem>>, vector<1x64x640xf32>
    %get3A_116 = vector.shape_cast %get3A_115 : vector<1x64x640xf32> to vector<64x640xf32>
    %dot_general3A_117 = arith.constant dense<0.000000e+00> : vector<64x2048xf32>
    %dot_general3A_118 = tpu.matmul %get3A_116, %convert_element_type3A_111, %dot_general3A_117 {dimension_numbers = #tpu.dot_dimension_numbers<[1], [0], [0], [1], [0, 0, 1, 1], [], []>, transpose_lhs_hint = false} : vector<64x640xf32>, vector<640x2048xf32>, vector<64x2048xf32> -> vector<64x2048xf32>
    %slice3A_119 = vector.extract_strided_slice %reshape3A {offsets = [4, 0, 0], sizes = [1, 64, 2048], strides = [1, 1, 1]} : vector<8x64x2048xf32> to vector<1x64x2048xf32>
    %squeeze3A_120 = vector.shape_cast %slice3A_119 : vector<1x64x2048xf32> to vector<64x2048xf32>
    %add3A_121 = arith.addf %squeeze3A_120, %dot_general3A_118 : vector<64x2048xf32>
    %swap3A_122 = arith.constant 4 : index
    %swap3A_123 = arith.constant 0 : index
    %swap3A_124 = arith.constant 0 : index
    %swap3A_125 = vector.load %arg5[%swap3A_122, %swap3A_123, %swap3A_124] : memref<8x64x2048xf32, #tpu.memory_space<vmem>>, vector<1x64x2048xf32>
    %swap3A_126 = vector.shape_cast %swap3A_125 : vector<1x64x2048xf32> to vector<64x2048xf32>
    %swap3A_127 = vector.shape_cast %add3A_121 : vector<64x2048xf32> to vector<1x64x2048xf32>
    tpu.vector_store %arg5[%swap3A_122, %swap3A_123, %swap3A_124], %swap3A_127 {strides = array<i32>} : memref<8x64x2048xf32, #tpu.memory_space<vmem>>, vector<1x64x2048xf32>,
    %get3A_128 = arith.constant 5 : index
    %get3A_129 = arith.constant 0 : index
    %get3A_130 = arith.constant 0 : index
    %get3A_131 = vector.load %arg3[%get3A_128, %get3A_129, %get3A_130] : memref<8x640x1xi32, #tpu.memory_space<vmem>>, vector<1x640x1xi32>
    %get3A_132 = vector.shape_cast %get3A_131 : vector<1x640x1xi32> to vector<640x1xi32>
    %eq3A_133 = vector.broadcast %get3A_132 : vector<640x1xi32> to vector<640x2048xi32>
    %eq3A_134 = arith.cmpi eq, %eq3A_133, %add3A_7 : vector<640x2048xi32>
    %convert_element_type3A_135 = arith.extui %eq3A_134 : vector<640x2048xi1> to vector<640x2048xi32>
    %convert_element_type3A_136 = arith.sitofp %convert_element_type3A_135 : vector<640x2048xi32> to vector<640x2048xf32>
    %get3A_137 = arith.constant 5 : index
    %get3A_138 = arith.constant 0 : index
    %get3A_139 = arith.constant 0 : index
    %get3A_140 = vector.load %arg2[%get3A_137, %get3A_138, %get3A_139] : memref<8x64x640xf32, #tpu.memory_space<vmem>>, vector<1x64x640xf32>
    %get3A_141 = vector.shape_cast %get3A_140 : vector<1x64x640xf32> to vector<64x640xf32>
    %dot_general3A_142 = arith.constant dense<0.000000e+00> : vector<64x2048xf32>
    %dot_general3A_143 = tpu.matmul %get3A_141, %convert_element_type3A_136, %dot_general3A_142 {dimension_numbers = #tpu.dot_dimension_numbers<[1], [0], [0], [1], [0, 0, 1, 1], [], []>, transpose_lhs_hint = false} : vector<64x640xf32>, vector<640x2048xf32>, vector<64x2048xf32> -> vector<64x2048xf32>
    %slice3A_144 = vector.extract_strided_slice %reshape3A {offsets = [5, 0, 0], sizes = [1, 64, 2048], strides = [1, 1, 1]} : vector<8x64x2048xf32> to vector<1x64x2048xf32>
    %squeeze3A_145 = vector.shape_cast %slice3A_144 : vector<1x64x2048xf32> to vector<64x2048xf32>
    %add3A_146 = arith.addf %squeeze3A_145, %dot_general3A_143 : vector<64x2048xf32>
    %swap3A_147 = arith.constant 5 : index
    %swap3A_148 = arith.constant 0 : index
    %swap3A_149 = arith.constant 0 : index
    %swap3A_150 = vector.load %arg5[%swap3A_147, %swap3A_148, %swap3A_149] : memref<8x64x2048xf32, #tpu.memory_space<vmem>>, vector<1x64x2048xf32>
    %swap3A_151 = vector.shape_cast %swap3A_150 : vector<1x64x2048xf32> to vector<64x2048xf32>
    %swap3A_152 = vector.shape_cast %add3A_146 : vector<64x2048xf32> to vector<1x64x2048xf32>
    tpu.vector_store %arg5[%swap3A_147, %swap3A_148, %swap3A_149], %swap3A_152 {strides = array<i32>} : memref<8x64x2048xf32, #tpu.memory_space<vmem>>, vector<1x64x2048xf32>,
    %get3A_153 = arith.constant 6 : index
    %get3A_154 = arith.constant 0 : index
    %get3A_155 = arith.constant 0 : index
    %get3A_156 = vector.load %arg3[%get3A_153, %get3A_154, %get3A_155] : memref<8x640x1xi32, #tpu.memory_space<vmem>>, vector<1x640x1xi32>
    %get3A_157 = vector.shape_cast %get3A_156 : vector<1x640x1xi32> to vector<640x1xi32>
    %eq3A_158 = vector.broadcast %get3A_157 : vector<640x1xi32> to vector<640x2048xi32>
    %eq3A_159 = arith.cmpi eq, %eq3A_158, %add3A_7 : vector<640x2048xi32>
    %convert_element_type3A_160 = arith.extui %eq3A_159 : vector<640x2048xi1> to vector<640x2048xi32>
    %convert_element_type3A_161 = arith.sitofp %convert_element_type3A_160 : vector<640x2048xi32> to vector<640x2048xf32>
    %get3A_162 = arith.constant 6 : index
    %get3A_163 = arith.constant 0 : index
    %get3A_164 = arith.constant 0 : index
    %get3A_165 = vector.load %arg2[%get3A_162, %get3A_163, %get3A_164] : memref<8x64x640xf32, #tpu.memory_space<vmem>>, vector<1x64x640xf32>
    %get3A_166 = vector.shape_cast %get3A_165 : vector<1x64x640xf32> to vector<64x640xf32>
    %dot_general3A_167 = arith.constant dense<0.000000e+00> : vector<64x2048xf32>
    %dot_general3A_168 = tpu.matmul %get3A_166, %convert_element_type3A_161, %dot_general3A_167 {dimension_numbers = #tpu.dot_dimension_numbers<[1], [0], [0], [1], [0, 0, 1, 1], [], []>, transpose_lhs_hint = false} : vector<64x640xf32>, vector<640x2048xf32>, vector<64x2048xf32> -> vector<64x2048xf32>
    %slice3A_169 = vector.extract_strided_slice %reshape3A {offsets = [6, 0, 0], sizes = [1, 64, 2048], strides = [1, 1, 1]} : vector<8x64x2048xf32> to vector<1x64x2048xf32>
    %squeeze3A_170 = vector.shape_cast %slice3A_169 : vector<1x64x2048xf32> to vector<64x2048xf32>
    %add3A_171 = arith.addf %squeeze3A_170, %dot_general3A_168 : vector<64x2048xf32>
    %swap3A_172 = arith.constant 6 : index
    %swap3A_173 = arith.constant 0 : index
    %swap3A_174 = arith.constant 0 : index
    %swap3A_175 = vector.load %arg5[%swap3A_172, %swap3A_173, %swap3A_174] : memref<8x64x2048xf32, #tpu.memory_space<vmem>>, vector<1x64x2048xf32>
    %swap3A_176 = vector.shape_cast %swap3A_175 : vector<1x64x2048xf32> to vector<64x2048xf32>
    %swap3A_177 = vector.shape_cast %add3A_171 : vector<64x2048xf32> to vector<1x64x2048xf32>
    tpu.vector_store %arg5[%swap3A_172, %swap3A_173, %swap3A_174], %swap3A_177 {strides = array<i32>} : memref<8x64x2048xf32, #tpu.memory_space<vmem>>, vector<1x64x2048xf32>,
    %get3A_178 = arith.constant 7 : index
    %get3A_179 = arith.constant 0 : index
    %get3A_180 = arith.constant 0 : index
    %get3A_181 = vector.load %arg3[%get3A_178, %get3A_179, %get3A_180] : memref<8x640x1xi32, #tpu.memory_space<vmem>>, vector<1x640x1xi32>
    %get3A_182 = vector.shape_cast %get3A_181 : vector<1x640x1xi32> to vector<640x1xi32>
    %eq3A_183 = vector.broadcast %get3A_182 : vector<640x1xi32> to vector<640x2048xi32>
    %eq3A_184 = arith.cmpi eq, %eq3A_183, %add3A_7 : vector<640x2048xi32>
    %convert_element_type3A_185 = arith.extui %eq3A_184 : vector<640x2048xi1> to vector<640x2048xi32>
    %convert_element_type3A_186 = arith.sitofp %convert_element_type3A_185 : vector<640x2048xi32> to vector<640x2048xf32>
    %get3A_187 = arith.constant 7 : index
    %get3A_188 = arith.constant 0 : index
    %get3A_189 = arith.constant 0 : index
    %get3A_190 = vector.load %arg2[%get3A_187, %get3A_188, %get3A_189] : memref<8x64x640xf32, #tpu.memory_space<vmem>>, vector<1x64x640xf32>
    %get3A_191 = vector.shape_cast %get3A_190 : vector<1x64x640xf32> to vector<64x640xf32>
    %dot_general3A_192 = arith.constant dense<0.000000e+00> : vector<64x2048xf32>
    %dot_general3A_193 = tpu.matmul %get3A_191, %convert_element_type3A_186, %dot_general3A_192 {dimension_numbers = #tpu.dot_dimension_numbers<[1], [0], [0], [1], [0, 0, 1, 1], [], []>, transpose_lhs_hint = false} : vector<64x640xf32>, vector<640x2048xf32>, vector<64x2048xf32> -> vector<64x2048xf32>
    %slice3A_194 = vector.extract_strided_slice %reshape3A {offsets = [7, 0, 0], sizes = [1, 64, 2048], strides = [1, 1, 1]} : vector<8x64x2048xf32> to vector<1x64x2048xf32>
    %squeeze3A_195 = vector.shape_cast %slice3A_194 : vector<1x64x2048xf32> to vector<64x2048xf32>
    %add3A_196 = arith.addf %squeeze3A_195, %dot_general3A_193 : vector<64x2048xf32>
    %swap3A_197 = arith.constant 7 : index
    %swap3A_198 = arith.constant 0 : index
    %swap3A_199 = arith.constant 0 : index
    %swap3A_200 = vector.load %arg5[%swap3A_197, %swap3A_198, %swap3A_199] : memref<8x64x2048xf32, #tpu.memory_space<vmem>>, vector<1x64x2048xf32>
    %swap3A_201 = vector.shape_cast %swap3A_200 : vector<1x64x2048xf32> to vector<64x2048xf32>
    %swap3A_202 = vector.shape_cast %add3A_196 : vector<64x2048xf32> to vector<1x64x2048xf32>
    tpu.vector_store %arg5[%swap3A_197, %swap3A_198, %swap3A_199], %swap3A_202 {strides = array<i32>} : memref<8x64x2048xf32, #tpu.memory_space<vmem>>, vector<1x64x2048xf32>,
    return
  }
  func.func @transform_0(%arg0: i32) -> (i32, i32) {
    %c0_i32 = arith.constant 0 : i32
    %c0_i32_0 = arith.constant 0 : i32
    %c0_i32_1 = arith.constant 0 : i32
    return %c0_i32, %c0_i32_0 : i32, i32
  }
  func.func @transform_1(%arg0: i32) -> (i32, i32, i32) {
    %c0_i32 = arith.constant 0 : i32
    %c0_i32_0 = arith.constant 0 : i32
    %c0_i32_1 = arith.constant 0 : i32
    %c0_i32_2 = arith.constant 0 : i32
    return %c0_i32, %c0_i32_0, %c0_i32_1 : i32, i32, i32
  }
  func.func @transform_2(%arg0: i32) -> (i32, i32, i32) {
    %c0_i32 = arith.constant 0 : i32
    %c0_i32_0 = arith.constant 0 : i32
    %c0_i32_1 = arith.constant 0 : i32
    %c0_i32_2 = arith.constant 0 : i32
    return %c0_i32, %c0_i32_0, %c0_i32_1 : i32, i32, i32
  }
  func.func @transform_3(%arg0: i32) -> (i32, i32) {
    %c0_i32 = arith.constant 0 : i32
    %c0_i32_0 = arith.constant 0 : i32
    return %c0_i32, %arg0 : i32, i32
  }
  func.func @transform_4(%arg0: i32) -> (i32, i32, i32) {
    %c0_i32 = arith.constant 0 : i32
    %c0_i32_0 = arith.constant 0 : i32
    %c0_i32_1 = arith.constant 0 : i32
    return %c0_i32, %c0_i32_0, %arg0 : i32, i32, i32
  }
}

</mosaic_0001>

<sc_bundles>
// kernel: kernel.6.cloned.1.call-start
scs
__scs_entry_jumppad:
0x0: {  	(pc) =	sbr.rel $0x88, $3  }
0x1: {  	(tag) =	ssettag $0x0;
	lr =	simm.s32 $0x1  }
0x2: {  	[smem:$0x3F8E] =	sst lr;
	_ =	strace $0xD0000000  }
0x3: {  	_ = 	snop  }
0x4: {  	_ = 	snop  }
0x5: {  	_ = 	snop  }
0x6: {  	_ = 	snop  }
0x7: {  	_ = 	snop  }
__scs_overlays_trampoline_lowered:
0x8: {  	[smem:$0x3F9D] =	sst s0  }
0x9: {  	[smem:$0x3F9E] =	sst s1  }
0xa: {  	[smem:$0x3F9F] =	sst s2  }
0xb: {  	[smem:$0x3FA0] =	sst s3  }
0xc: {  	[smem:$0x3FA1] =	sst s4  }
0xd: {  	[smem:$0x3FA2] =	sst s5  }
0xe: {  	[smem:$0x3FA3] =	sst s6  }
0xf: {  	[smem:$0x3FA4] =	sst s7  }
0x10: {  	[smem:$0x3FA5] =	sst s8  }
0x11: {  	[smem:$0x3FA6] =	sst s9;
	s0 =	simm.s32 @!p0 $0x0  }
0x12: {  	s1 =	sld [smem:$0x3F8C];
	s0 =	simm.s32 @p0 $0x1  }
0x13: {  	[smem:$0x3FA7] =	sst s0;
	s0 =	simm.s32 @!p1 $0x0  }
0x14: {  	s2 =	sld [smem:$0x3F8B];
	s0 =	simm.s32 @p1 $0x1  }
0x15: {  	[smem:$0x3FA8] =	sst s0;
	s0 =	simm.s32 @!p2 $0x0  }
0x16: {  	s3 =	sld [smem:$0x3FDB];
	s0 =	simm.s32 @p2 $0x1  }
0x17: {  	s4 =	simm.s32 $0x1BF5;
	[smem:$0x3FAA] =	sst s0  }
0x18: {  	s0 =	sld [smem:$0x3F8D];
	_ =	swait.ge [sflag:s4], $0x0  }
0x19: {  	s7 =	sld [smem:$0x3F8E]  }
0x1a: {  	s8 =	sadd.s32 $0xFFFFE003, lr  }
0x1b: {  	s9 =	sadd.s32 $0xFFFFFEF7, lr;
	s5 =	simm.s32 $0xFFFFFFFF;
	p2 =	slt.u32 s8, $0xFFFFF086  }
0x1c: {  	p1 =	slt.u32 s9, $0xF7A;
	s5 =	simm.s32 @!p2 $0x0  }
0x1d: {  	s5 =	simm.s32 @p1 $0x1;
	p0 =	seq.s32 s7, s2  }
0x1e: {  	s7 =	smul.u32 @!p0 $0xF7A, s2;
	p2 =	seq.s32 @!p0 s5, $0x0  }
0x1f: {  	s9 =	smul.u32 $0xF7A, s1;
	s8 =	simm.s32 @!p0 $0x1BF5;
	p2 =	por !p2, p0  }
0x20: {  	[sflag:s8] =	ssyncset.s32 @!p0 $0xFFFFF086;
	s6 =	sadd.s32 @!p0 s3, s7;
	s7 =	simm.s32 @!p0 $0x108  }
0x21: {  	s3 =	sadd.s32 s3, s9;
	s6 =	sadd.s32 @!p0 $0x88, s6;
	s7 =	simm.s32 @p2 $0x1082  }
0x22: {  	[simem:s7], [sflag:s8] =	dma.local @!p0 [hbm:s6], $0xF7A  }
0x23: {  	s9 =	sor.u32 $0xD0000000, s2;
	s6 =	simm.s32 $0x108;
	_ =	swait.ge @!p0 [sflag:s8], $0x0  }
0x24: {  	s3 =	sadd.s32 $0x88, s3;
	s6 =	simm.s32 @!p1 $0x1082;
	[sflag:s4] =	ssyncset.s32 $0xFFFFF086  }
0x25: {  	[simem:s6], [sflag:s4] =	dma.local [hbm:s3], $0xF7A  }
0x26: {  	[smem:$0x3F8E] =	sst s1;
	(tag) =	ssettag s2;
	_ =	strace s9  }
0x27: {  	s1 =	sld [smem:$0x3F9E]  }
0x28: {  	s2 =	sld [smem:$0x3F9F]  }
0x29: {  	s4 =	sld [smem:$0x3FA1]  }
0x2a: {  	p0 =	seq.s32 s5, $0x0;
	s5 =	sld [smem:$0x3FA2]  }
0x2b: {  	s6 =	sld [smem:$0x3FA3]  }
0x2c: {  	s7 =	sld [smem:$0x3FA4]  }
0x2d: {  	s3 =	simm.s32 $0x108;
	s8 =	sld [smem:$0x3FA5]  }
0x2e: {  	s3 =	simm.s32 @!p0 $0x1082;
	s9 =	sld [smem:$0x3FA6]  }
0x2f: {  	lr =	sadd.s32 s0, s3;
	s0 =	sld [smem:$0x3F9D]  }
0x30: {  	s3 =	sld [smem:$0x3FA0]  }
0x31: {  	[smem:$0x3FA9] =	sst s10  }
0x32: {  	s10 =	sld [smem:$0x3FA7];
	_ =	sdelay $0x3  }
0x33: {  	p0 =	seq.s32 s10, $0x1;
	s10 =	sld [smem:$0x3FA9];
	_ =	sdelay $0x3  }
0x34: {  	[smem:$0x3FA9] =	sst s10  }
0x35: {  	s10 =	sld [smem:$0x3FA8];
	_ =	sdelay $0x3  }
0x36: {  	p1 =	seq.s32 s10, $0x1;
	s10 =	sld [smem:$0x3FA9];
	_ =	sdelay $0x3  }
0x37: {  	[smem:$0x3FA9] =	sst s10  }
0x38: {  	s10 =	sld [smem:$0x3FAA]  }
0x39: {  	_ = 	snop;
	(pc) =	sbr.ind lr, $3  }
0x3a: {  	_ = 	snop  }
0x3b: {  	_ = 	snop  }
0x3c: {  	p2 =	seq.s32 s10, $0x1;
	s10 =	sld [smem:$0x3FA9]  }
0x3d: {  	_ =	shalt  }
0x3e: {  	_ =	shalt  }
0x3f: {  	_ =	shalt  }
0x40: {  	_ =	shalt  }
0x41: {  	_ =	shalt  }
0x42: {  	_ =	shalt  }
0x43: {  	_ =	shalt  }
0x44: {  	_ =	shalt  }
0x45: {  	_ =	shalt  }
0x46: {  	_ =	shalt  }
0x47: {  	_ =	shalt  }
0x48: {  	_ =	shalt  }
0x49: {  	_ =	shalt  }
0x4a: {  	_ =	shalt  }
0x4b: {  	_ =	shalt  }
0x4c: {  	_ =	shalt  }
0x4d: {  	_ =	shalt  }
0x4e: {  	_ =	shalt  }
0x4f: {  	_ =	shalt  }
0x50: {  	_ =	shalt  }
0x51: {  	_ =	shalt  }
0x52: {  	_ =	shalt  }
0x53: {  	_ =	shalt  }
0x54: {  	_ =	shalt  }
0x55: {  	_ =	shalt  }
0x56: {  	_ =	shalt  }
0x57: {  	_ =	shalt  }
0x58: {  	_ =	shalt  }
0x59: {  	_ =	shalt  }
0x5a: {  	_ =	shalt  }
0x5b: {  	_ =	shalt  }
0x5c: {  	_ =	shalt  }
0x5d: {  	_ =	shalt  }
0x5e: {  	_ =	shalt  }
0x5f: {  	_ =	shalt  }
0x60: {  	_ =	shalt  }
0x61: {  	_ =	shalt  }
0x62: {  	_ =	shalt  }
0x63: {  	_ =	shalt  }
0x64: {  	_ =	shalt  }
0x65: {  	_ =	shalt  }
0x66: {  	_ =	shalt  }
0x67: {  	_ =	shalt  }
0x68: {  	_ =	shalt  }
0x69: {  	_ =	shalt  }
0x6a: {  	_ =	shalt  }
0x6b: {  	_ =	shalt  }
0x6c: {  	_ =	shalt  }
0x6d: {  	_ =	shalt  }
0x6e: {  	_ =	shalt  }
0x6f: {  	_ =	shalt  }
0x70: {  	_ =	shalt  }
0x71: {  	_ =	shalt  }
0x72: {  	_ =	shalt  }
0x73: {  	_ =	shalt  }
0x74: {  	_ =	shalt  }
0x75: {  	_ =	shalt  }
0x76: {  	_ =	shalt  }
0x77: {  	_ =	shalt  }
0x78: {  	_ =	shalt  }
0x79: {  	_ =	shalt  }
0x7a: {  	_ =	shalt  }
0x7b: {  	_ =	shalt  }
0x7c: {  	_ =	shalt  }
0x7d: {  	_ =	shalt  }
0x7e: {  	_ =	shalt  }
0x7f: {  	_ =	shalt  }
0x80: {  	_ =	shalt  }
0x81: {  	_ =	shalt  }
0x82: {  	_ =	shalt  }
0x83: {  	_ =	shalt  }
0x84: {  	_ =	shalt  }
0x85: {  	_ =	shalt  }
0x86: {  	_ =	shalt  }
0x87: {  	_ =	shalt  }
.Lfunc_end0:
.L_simem_size_0:
called_computation_lowered:
.L_overlay_start_0:
0x88: {  	s2 =	sld [smem:$0x3FD9]  }
0x89: {  	s3 =	sld [smem:$0x3FFE];
	_ =	sdelay $0x1  }
0x8a: {  	s1 =	srdreg.scid  }
0x8b: {  	s0 =	sand.u32 $0x1, s1  }
0x8c: {  	s17 =	sshll.u32 s0, $0xA;
	s2 =	sadd.s32 s3, s2  }
0x8d: {  	s2 =	sadd.s32 s2, s17  }
0x8e: {  	[smem:$0x3FB5] =	sst s2  }
0x8f: {  	_ = 	snop  }
0x90: {  	s2 =	sld [smem:$0x3FD0];
	(tm) =	ssettm $0x1  }
0x91: {  	s18 =	sld [smem:$0x3FFB];
	_ =	sdelay $0x3  }
0x92: {  	_ =	strace s18  }
0x93: {  	s3 =	sld [smem:$0x3FFC];
	_ =	sdelay $0x3  }
0x94: {  	_ =	strace s3  }
0x95: {  	s3 =	sld [smem:$0x3FFD];
	_ =	sdelay $0x3  }
0x96: {  	_ =	strace s3  }
0x97: {  	_ =	strace $0x8FFFFFFF  }
0x98: {  	s19 =	sld [smem:$0x3FDB];
	_ =	sdelay $0x1  }
0x99: {  	s4 =	simm.s32 $_scs_section_size  }
0x9a: {  	s5 =	simm.s32 $_size__tile_overlayer_lowered;
	s6 =	simm.s32 $_tile_overlayer_lowered  }
0x9b: {  	s22 =	simm.s32 $0x1BFF;
	s21 =	sshll.u32 s6, $0x1;
	s3 =	sadd.s32 s4, s19  }
0x9c: {  	s7 =	simm.s32 $0x0;
	s20 =	sshll.u32 s5, $0x1;
	s5 =	sadd.s32 s21, s3  }
0x9d: {  	[timem:s7], [sflag:s22] =	dma.local [hbm:s5], s20  }
0x9e: {  	_ =	swait.ge [sflag:s22], s20  }
0x9f: {  	s4 =	ssub.s32 $0x0, s20;
	[sflag:s22] =	ssyncset.done $0x0  }
0xa0: {  	[sflag:s22] =	ssyncadd.s32 s4;
	_ =	sdelay $0x1  }
0xa1: {  	s23 =	simm.s32 $0x1B8B  }
0xa2: {  	_ =	swait.ge [sflag:s23], $0x1  }
0xa3: {  	[sflag:s23] =	ssyncset.done $0x0  }
0xa4: {  	s25 =	simm.s32 $0x1B8E;
	s24 =	sld [smem:$0x3FFE];
	[sflag:s23] =	ssyncadd.s32 $0xFFFFFFFF  }
0xa5: {  	s26 =	simm.s32 $execute0_lowered;
	[smem:$0x3FD2] =	sst s25  }
0xa6: {  	s5 =	sshll.u32 s26, $0x1;
	_ =	strace $0x80000046;
	[dreg:$0x1] =	wrdreg $0xFFFFFFFF  }
0xa7: {  	s28 =	simm.s32 $_size_execute0_lowered;
	s3 =	sadd.s32 s3, s5;
	[dreg:$0x0] =	wrdreg $0x0  }
0xa8: {  	s5 =	sshll.u32 s28, $0x1;
	[dreg:$0x2] =	wrdreg s3  }
0xa9: {  	[dreg:$0x3] =	wrdreg s5  }
0xaa: {  	[dreg:$0x4] =	wrdreg $0xC0  }
0xab: {  	_ =	task [dreg:s7], $0x5FFFF  }
0xac: {  	[dreg:$0x1] =	wrdreg $0xFFFFFFFF  }
0xad: {  	[dreg:$0x0] =	wrdreg $0x60  }
0xae: {  	[dreg:$0x2] =	wrdreg s24  }
0xaf: {  	[dreg:$0x3] =	wrdreg s2  }
0xb0: {  	[dreg:$0x4] =	wrdreg $0x9  }
0xb1: {  	_ =	task.clear_ibuf [dreg:s7], $0x5FFFF;
	_ =	strace $0x90000046  }
0xb2: {  	s29 =	simm.s32 $0x9;
	_ =	strace $0x80000048  }
0xb3: {  	_ =	swait.ge [sflag:s29], $0x1  }
0xb4: {  	[sflag:s29] =	ssyncadd.s32 $0xFFFFFFFF  }
0xb5: {  	_ =	strace $0x90000048  }
0xb6: {  	_ =	sfence  }
0xb7: {  	s30 =	sld [smem:$0x0];
	_ =	sdelay $0x2  }
0xb8: {  	s31 =	sshll.u32 s1, $0xD;
	s1 =	sshrl.u32 s1, $0x2  }
0xb9: {  	s3 =	sand.u32 $0x4000, s31;
	s1 =	sadd.s32 s1, s30  }
0xba: {  	s0 =	sor.u32 s3, s0;
	s1 =	sshll.u32 s1, $0x11  }
0xbb: {  	s0 =	sor.u32 s1, s0  }
0xbc: {  	s0 =	sadd.s32 $0x8F2B, s0  }
0xbd: {  	[sflag:s0] =	ssyncadd.remote.s32 $0x1  }
0xbe: {  	_ =	sfence.sel $0xFFFF  }
0xbf: {  	[dreg:$0x0] =	wrdreg $0xFFFFFFFF;
	(pc) =	sbr.abs _section_cstart, $3  }
0xc0: {  	[dreg:$0x1] =	wrdreg $0xFFFFFFFF  }
0xc1: {  	_ =	task.clear_ibuf [dreg:s7], $0x2FFFF;
	_ =	strace $0x9FFFFFFF  }
0xc2: {  	(tm) =	ssettm $0x7FFFFFFF  }
0xc3: {  	_ =	shalt  }
tec
execute0_lowered:
.L_overlay_start_1:
0x0: {  	(tag) =	ssettag $0x1  }
0x1: {  	s1 =	srdreg.scid  }
0x2: {  	s0 =	stileid.u32;
	s13 =	sand.u32 $0x1, s1  }
0x3: {  	s10 =	rddreg [dreg:$0x0];
	s30 =	sshll.u32 s0, $0x8;
	s3 =	sshll.u32 s13, $0x7  }
0x4: {  	s2 =	rddreg [dreg:$0x1];
	s6 =	sor.u32 s3, s30  }
0x5: {  	s1 =	rddreg [dreg:$0x2];
	s3 =	simm.s32 $0x0;
	s4 =	sshrl.u32 s6, $0x3  }
0x6: {  	[smem:$0x7FF] =	sst s3;
	s12 =	sadd.s32 s4, s10  }
0x7: {  	_ =	strace $0x80000047;
	s4 =	simm.s32 $0x2;
	s5 =	sadd.s32 $0x3400, s12  }
0x8: {  	[tilespmem:s3], [sflag:$0x2] =	stream.linear.gather [hbm4b:s5+s3], $0x80, $0x38;
	[tilespmem:$0x9880] =	vst v63  }
0x9: {  	_ =	swait.ge [sflag:s4], $0x80  }
0xa: {  	s7 =	simm.s32 $0x1;
	[sflag:s4] =	ssyncset.done $0x0  }
0xb: {  	s8 =	smul.u32 $0x26, s6;
	s6 =	simm.s32 $0x80;
	[sflag:s4] =	ssyncadd.s32 $0xFFFFFF80  }
0xc: {  	[tilespmem:s6], [sflag:$0x1] =	stream.indirect.gather [hbm4b:s2+s6], $0x12C, s3, s6, $0xb8;
	[tilespmem:$0x9880] =	vst v63  }
0xd: {  	_ =	swait.ge [sflag:s7], $0x9600  }
0xe: {  	s14 =	sadd.s32 s8, s10;
	[sflag:s7] =	ssyncset.done $0x0  }
0xf: {  	s8 =	sadd.s32 $0x33000, s14;
	[sflag:s7] =	ssyncadd.s32 $0xFFFF6A00  }
0x10: {  	[hbm4b:s8+s3] =	stream.linear.scatter [tilespmem:s6], [sflag:$0x2], $0x9800, $0x38;
	[tilespmem:$0x9880] =	vst v63  }
0x11: {  	_ =	swait.ge [sflag:s4], $0x9800  }
0x12: {  	[sflag:s4] =	ssyncset.done $0x0  }
0x13: {  	s9 =	sadd.s32 $0x3800, s12;
	[sflag:s4] =	ssyncadd.s32 $0xFFFF6800  }
0x14: {  	[tilespmem:s3], [sflag:$0x2] =	stream.linear.gather [hbm4b:s9+s3], $0x80, $0x38;
	[tilespmem:$0x9880] =	vst v63  }
0x15: {  	_ =	swait.ge [sflag:s4], $0x80  }
0x16: {  	[sflag:s4] =	ssyncset.done $0x0  }
0x17: {  	s10 =	sadd.s32 $0x3A00, s10;
	[sflag:s4] =	ssyncadd.s32 $0xFFFFFF80  }
0x18: {  	[tilespmem:s6], [sflag:$0x1] =	stream.indirect.gather [hbm4b:s10+s6], $0x12C, s3, s6, $0xb8;
	[tilespmem:$0x9880] =	vst v63  }
0x19: {  	_ =	swait.ge [sflag:s7], $0x9600  }
0x1a: {  	[sflag:s7] =	ssyncset.done $0x0  }
0x1b: {  	s11 =	sadd.s32 $0xD000, s14;
	[sflag:s7] =	ssyncadd.s32 $0xFFFF6A00  }
0x1c: {  	[hbm4b:s11+s3] =	stream.linear.scatter [tilespmem:s6], [sflag:$0x2], $0x9800, $0x38;
	[tilespmem:$0x9880] =	vst v63  }
0x1d: {  	_ =	swait.ge [sflag:s4], $0x9800  }
0x1e: {  	[sflag:s4] =	ssyncset.done $0x0  }
0x1f: {  	s13 =	ssub.s32 $0x2, s13;
	s12 =	sadd.s32 $0x3600, s12;
	[sflag:s4] =	ssyncadd.s32 $0xFFFF6800  }
0x20: {  	[tilespmem:s3], [sflag:$0x2] =	stream.linear.gather [hbm4b:s12+s3], $0x80, $0x38;
	[tilespmem:$0x9880] =	vst v63  }
0x21: {  	s15 =	sshrl.u32 s13, $0x1;
	_ =	swait.ge [sflag:s4], $0x80  }
0x22: {  	s15 =	ssub.s32 s13, s15;
	[sflag:s4] =	ssyncset.done $0x0  }
0x23: {  	s31 =	smax.u32 s15, $0x1;
	[sflag:s4] =	ssyncadd.s32 $0xFFFFFF80  }
0x24: {  	[tilespmem:s6], [sflag:$0x1] =	stream.indirect.gather [hbm4b:s2+s6], $0x12C, s3, s6, $0xb8;
	[tilespmem:$0x9880] =	vst v63  }
0x25: {  	p0 =	sne.s32 s31, $0x1;
	_ =	swait.ge [sflag:s7], $0x9600  }
.Ltmp0:
0x26: {  	[sflag:s7] =	ssyncset.done $0x0;
	(pc) =	sbr.rel @!p0 .LBB2_2-.Ltmp0, $4  }
0x27: {  	s13 =	sadd.s32 $0x59000, s14;
	[sflag:s7] =	ssyncadd.s32 $0xFFFF6A00  }
0x28: {  	[hbm4b:s13+s3] =	stream.linear.scatter [tilespmem:s6], [sflag:$0x2], $0x9800, $0x38;
	[tilespmem:$0x9880] =	vst v63  }
0x29: {  	_ =	swait.ge [sflag:s4], $0x9800  }
0x2a: {  	s14 =	sadd.s32 $0xFFFFFFFF, s31;
	[sflag:s4] =	ssyncset.done $0x0  }
.LBB2_1:
0x2b: {  	p0 =	sne.s32 s14, $0x1;
	s14 =	sadd.s32 $0xFFFFFFFF, s14;
	[sflag:s4] =	ssyncadd.s32 $0xFFFF6800  }
0x2c: {  	[tilespmem:s3], [sflag:$0x2] =	stream.linear.gather [hbm4b:s5+s3], $0x80, $0x38;
	[tilespmem:$0x9880] =	vst v63  }
0x2d: {  	_ =	swait.ge [sflag:s4], $0x80  }
0x2e: {  	[sflag:s4] =	ssyncset.done $0x0  }
0x2f: {  	[sflag:s4] =	ssyncadd.s32 $0xFFFFFF80  }
0x30: {  	[tilespmem:s6], [sflag:$0x1] =	stream.indirect.gather [hbm4b:s2+s6], $0x12C, s3, s6, $0xb8;
	[tilespmem:$0x9880] =	vst v63  }
0x31: {  	_ =	swait.ge [sflag:s7], $0x9600  }
0x32: {  	[sflag:s7] =	ssyncset.done $0x0  }
0x33: {  	[sflag:s7] =	ssyncadd.s32 $0xFFFF6A00  }
0x34: {  	[hbm4b:s8+s3] =	stream.linear.scatter [tilespmem:s6], [sflag:$0x2], $0x9800, $0x38;
	[tilespmem:$0x9880] =	vst v63  }
0x35: {  	_ =	swait.ge [sflag:s4], $0x9800  }
0x36: {  	[sflag:s4] =	ssyncset.done $0x0  }
0x37: {  	[sflag:s4] =	ssyncadd.s32 $0xFFFF6800  }
0x38: {  	[tilespmem:s3], [sflag:$0x2] =	stream.linear.gather [hbm4b:s9+s3], $0x80, $0x38;
	[tilespmem:$0x9880] =	vst v63  }
0x39: {  	_ =	swait.ge [sflag:s4], $0x80  }
0x3a: {  	[sflag:s4] =	ssyncset.done $0x0  }
0x3b: {  	[sflag:s4] =	ssyncadd.s32 $0xFFFFFF80  }
0x3c: {  	[tilespmem:s6], [sflag:$0x1] =	stream.indirect.gather [hbm4b:s10+s6], $0x12C, s3, s6, $0xb8;
	[tilespmem:$0x9880] =	vst v63  }
0x3d: {  	_ =	swait.ge [sflag:s7], $0x9600  }
0x3e: {  	[sflag:s7] =	ssyncset.done $0x0  }
0x3f: {  	[sflag:s7] =	ssyncadd.s32 $0xFFFF6A00  }
0x40: {  	[hbm4b:s11+s3] =	stream.linear.scatter [tilespmem:s6], [sflag:$0x2], $0x9800, $0x38;
	[tilespmem:$0x9880] =	vst v63  }
0x41: {  	_ =	swait.ge [sflag:s4], $0x9800  }
0x42: {  	[sflag:s4] =	ssyncset.done $0x0  }
0x43: {  	[sflag:s4] =	ssyncadd.s32 $0xFFFF6800  }
0x44: {  	[tilespmem:s3], [sflag:$0x2] =	stream.linear.gather [hbm4b:s12+s3], $0x80, $0x38;
	[tilespmem:$0x9880] =	vst v63  }
0x45: {  	_ =	swait.ge [sflag:s4], $0x80  }
0x46: {  	[sflag:s4] =	ssyncset.done $0x0  }
0x47: {  	[sflag:s4] =	ssyncadd.s32 $0xFFFFFF80  }
0x48: {  	[tilespmem:s6], [sflag:$0x1] =	stream.indirect.gather [hbm4b:s2+s6], $0x12C, s3, s6, $0xb8;
	[tilespmem:$0x9880] =	vst v63  }
0x49: {  	_ =	swait.ge [sflag:s7], $0x9600  }
.Ltmp1:
0x4a: {  	[sflag:s7] =	ssyncset.done $0x0;
	(pc) =	sbr.rel @p0 .LBB2_1-.Ltmp1, $4  }
0x4b: {  	[sflag:s7] =	ssyncadd.s32 $0xFFFF6A00  }
0x4c: {  	[hbm4b:s13+s3] =	stream.linear.scatter [tilespmem:s6], [sflag:$0x2], $0x9800, $0x38;
	[tilespmem:$0x9880] =	vst v63  }
0x4d: {  	_ =	swait.ge [sflag:s4], $0x9800  }
0x4e: {  	[sflag:s4] =	ssyncset.done $0x0  }
.LBB2_2:
0x4f: {  	[sflag:s4] =	ssyncadd.s32 $0xFFFF6800  }
0x50: {  	_ =	sfence.sel $0x180000  }
0x51: {  	[bflag:$0x0] =	sbarrier.arrive $0xFFFF  }
0x52: {  	p0 =	sne.s32 s0, $0x0;
	_ =	strace $0x90000047  }
0x53: {  	s0 =	sadd.s32 @!p0 $0x100000, s1;
	[bflag:$0x2] =	sbarrier.arrive $0xFFFF  }
0x54: {  	[sflag:s0] =	ssyncadd.tile.s32 @!p0 $0x1;
	_ =	shalt  }
.Lfunc_end2:
_tile_overlayer_lowered:
.L_overlay_start_2:
0x55: {  	(tag) =	ssettag $0x2  }
0x56: {  	s0 =	rddreg [dreg:$0x0];
	s2 =	stileid.u32  }
0x57: {  	s1 =	rddreg [dreg:$0x1];
	p0 =	sne.s32 s2, $0x0  }
0x58: {  	s3 =	rddreg [dreg:$0x2];
	[bflag:$0x3] =	sbarrier.arrive $0xFFFF;
	s2 =	simm.s32 @!p0 $0x1C02  }
0x59: {  	[timem:s3], [sflag:s2] =	dma.local @!p0 [hbm:s0], s1  }
0x5a: {  	s0 =	simm.s32 @!p0 $0x2  }
0x5b: {  	_ =	swait.ge @!p0 [sflag:s0], s1  }
0x5c: {  	s1 =	ssub.s32 @!p0 $0x0, s1;
	[sflag:s0] =	ssyncset.done @!p0 $0x0  }
0x5d: {  	[sflag:s0] =	ssyncadd.s32 @!p0 s1  }
0x5e: {  	[bflag:$0x3] =	sbarrier.arrive $0xFFFF  }
0x5f: {  	_ =	shalt  }

</sc_bundles>
